<compile_context>
chip_gen: v7x
topology: tpu7x:2x2x1
jax: 0.10.2.dev20260603
libtpu: 0.0.44.dev20260713+nightly
codegen_flags: <defaults>
</compile_context>

<pallas_src>
import functools

import jax
import jax.numpy as jnp
from jax import lax
from jax.experimental import pallas as pl
from jax.experimental.pallas import tpu as pltpu
from jax.experimental.pallas import tpu_sc as plsc

_N = 100000
_NPAD = 102400
_EBIN = 6400000
_ESYM = 1600000
_STEPS = 5
_NC = 2
_NS = 16
_CHUNK = 2000
_ZB = 800
_FUEL = 1 << 22


def _make_step(n_pad, e_bin, e_sym, nc, ns, chunk, interpret=False):
  nw = nc * ns
  bin_pw = e_bin // nw
  sym_pw = e_sym // nw
  assert bin_pw % chunk == 0 and sym_pw % chunk == 0 and chunk % 16 == 0
  slice_sz = n_pad // ns
  assert slice_sz % _ZB == 0
  mesh = plsc.VectorSubcoreMesh(
      core_axis_name="c", subcore_axis_name="s",
      num_cores=nc, num_subcores=ns)

  @functools.partial(
      pl.kernel,
      out_type=(
          jax.ShapeDtypeStruct((n_pad,), jnp.float32),
          jax.ShapeDtypeStruct((nc * n_pad,), jnp.float32),
          jax.ShapeDtypeStruct((nc * n_pad,), jnp.float32),
          jax.ShapeDtypeStruct((nc * 16,), jnp.int32),
      ),
      mesh=mesh,
      scratch_types=[
          pltpu.VMEM((_N,), jnp.float32),
          pltpu.VMEM((chunk,), jnp.int32),
          pltpu.VMEM((chunk,), jnp.int32),
          pltpu.VMEM((chunk,), jnp.int32),
          pltpu.VMEM((chunk,), jnp.int32),
          pltpu.VMEM((chunk,), jnp.int32),
          pltpu.VMEM((chunk,), jnp.int32),
          pltpu.VMEM((chunk,), jnp.float32),
          pltpu.VMEM((chunk,), jnp.float32),
          pltpu.VMEM((slice_sz // 2,), jnp.float32),
          pltpu.VMEM((slice_sz // 2,), jnp.float32),
          pltpu.VMEM((16,), jnp.float32),
          pltpu.VMEM((16,), jnp.float32),
          pltpu.VMEM((16,), jnp.int32),
          pltpu.VMEM((16,), jnp.int32),
          pltpu.VMEM_SHARED((n_pad,), jnp.float32),
          pltpu.SemaphoreType.DMA,
          pltpu.SemaphoreType.DMA,
      ],
      compiler_params=pltpu.CompilerParams(needs_layout_passes=False),
      interpret=interpret,
  )
  def step(null_hbm, wb_hbm, ws_hbm, bed_hbm, sed_hbm,
           out_hbm, pub_hbm, pwork_hbm, flags_hbm,
           probs_v, d0, l0, r0, d1, l1, r1, c0, c1, ta, tb,
           wb_v, ws_v, fbuf, fw, acc_sh, s0, s1):
    cid = lax.axis_index("c")
    sid = lax.axis_index("s")
    wid = sid * nc + cid
    bufs = ((d0, l0, r0, c0, s0), (d1, l1, r1, c1, s1))

    def zero_acc_slice():
      @pl.loop(0, _ZB // 16)
      def _(i):
        c0[pl.ds(i * 16, 16)] = jnp.zeros((16,), jnp.float32)
      for k in range(slice_sz // _ZB):
        pltpu.sync_copy(c0.at[pl.ds(0, _ZB)],
                        acc_sh.at[pl.ds(sid * slice_sz + k * _ZB, _ZB)])

    @pl.when(sid == 0)
    def _():
      fw[...] = jnp.zeros((16,), jnp.int32)
      pltpu.sync_copy(fw, flags_hbm.at[pl.ds(cid * 16, 16)])

    zero_acc_slice()
    pltpu.sync_copy(null_hbm.at[pl.ds(0, _N)], probs_v)
    pltpu.sync_copy(wb_hbm, wb_v)
    pltpu.sync_copy(ws_hbm, ws_v)
    wb = wb_v[...]
    ws = ws_v[...]

    plsc.subcore_barrier()

    def process(ed_hbm, e_tot, per_w, w):
      base = wid * per_w
      nchunks = per_w // chunk
      npairs = nchunks // 2
      tail = nchunks - 2 * npairs

      def issue(off, k):
        d, l, r, _, s = bufs[k]
        pltpu.async_copy(ed_hbm.at[pl.ds(off, chunk)], d, s)
        pltpu.async_copy(ed_hbm.at[pl.ds(e_tot + off, chunk)], l, s)
        pltpu.async_copy(ed_hbm.at[pl.ds(2 * e_tot + off, chunk)], r, s)

      def wait_ld(k):
        d, l, r, _, s = bufs[k]
        pltpu.make_async_copy(ed_hbm.at[pl.ds(0, chunk)], d, s).wait()
        pltpu.make_async_copy(ed_hbm.at[pl.ds(0, chunk)], l, s).wait()
        pltpu.make_async_copy(ed_hbm.at[pl.ds(0, chunk)], r, s).wait()

      def do(k):
        d, l, r, c, _ = bufs[k]

        @plsc.parallel_loop(0, chunk // 16, unroll=4)
        def _(i):
          li = l[pl.ds(i * 16, 16)]
          ri = r[pl.ds(i * 16, 16)]
          pv = plsc.load_gather(probs_v, [li])
          qv = plsc.load_gather(probs_v, [ri])
          c[pl.ds(i * 16, 16)] = pv * qv * w

        pltpu.sync_copy(c, acc_sh.at[d], add=True)

      issue(base, 0)

      @pl.loop(0, npairs)
      def _(p):
        off0 = base + (2 * p) * chunk
        issue(off0 + chunk, 1)
        wait_ld(0)
        do(0)

        @pl.when(2 * p + 2 < nchunks)
        def _():
          issue(off0 + 2 * chunk, 0)

        wait_ld(1)
        do(1)

      if tail:
        wait_ld(0)
        do(0)

    @pl.loop(0, _STEPS)
    def _(s):
      process(bed_hbm, e_bin, bin_pw, wb)
      process(sed_hbm, e_sym, sym_pw, ws)

      plsc.subcore_barrier()

      pltpu.sync_copy(
          acc_sh.at[pl.ds(sid * slice_sz, slice_sz)],
          pub_hbm.at[pl.ds(cid * n_pad + sid * slice_sz, slice_sz)])
      zero_acc_slice()

      plsc.subcore_barrier()

      @pl.when(sid == 0)
      def _():
        fw[...] = jnp.full((16,), s + 1, jnp.int32)
        pltpu.sync_copy(fw, flags_hbm.at[pl.ds(cid * 16, 16)])

      other = (cid + 1) % nc

      def poll_cond(carry):
        v, fuel = carry
        return jnp.logical_and(v < s + 1, fuel < _FUEL)

      def poll_body(carry):
        _, fuel = carry
        pltpu.sync_copy(flags_hbm.at[pl.ds(other * 16, 16)], fbuf)
        return jnp.max(fbuf[...]), fuel + 1

      lax.while_loop(poll_cond, poll_body, (jnp.int32(-1), jnp.int32(0)))

      half = slice_sz // 2
      for h in range(2):
        base = sid * slice_sz + h * half
        pltpu.sync_copy(pub_hbm.at[pl.ds(base, half)], ta)
        pltpu.sync_copy(pub_hbm.at[pl.ds(n_pad + base, half)], tb)

        @pl.loop(0, half // 16)
        def _(i):
          sl = pl.ds(i * 16, 16)
          ta[sl] = ta[sl] + tb[sl]

        pltpu.sync_copy(null_hbm.at[pl.ds(base, half)], tb)

        @pl.loop(0, half // 16)
        def _(i):
          sl = pl.ds(i * 16, 16)
          ta[sl] = ta[sl] + tb[sl]

        pltpu.sync_copy(ta, pwork_hbm.at[pl.ds(cid * n_pad + base, half)])

        @pl.when(jnp.logical_and(s == _STEPS - 1, cid == 0))
        def _():
          pltpu.sync_copy(ta, out_hbm.at[pl.ds(base, half)])

      plsc.subcore_barrier()

      @pl.when(s < _STEPS - 1)
      def _():
        pltpu.sync_copy(pwork_hbm.at[pl.ds(cid * n_pad, _N)], probs_v)

  return step


_BUILT = {}


def _get_kernels():
  if "step" not in _BUILT:
    _BUILT["step"] = _make_step(_NPAD, _EBIN, _ESYM, _NC, _NS, _CHUNK)
  return _BUILT["step"]


def kernel(nullary_functions, binary_weight, symmetric_weight,
           binary_edges, symmetric_edges):
  _step = _get_kernels()
  f32 = jnp.float32
  wbv = jnp.full((16,), binary_weight, f32)
  wsv = jnp.full((16,), symmetric_weight, f32)
  null_pad = jnp.zeros((_NPAD,), f32).at[:_N].set(nullary_functions)
  bed_flat = binary_edges.reshape(-1)
  sed_flat = symmetric_edges.reshape(-1)
  probs, _, _, _ = _step(null_pad, wbv, wsv, bed_flat, sed_flat)
  return probs[:_N]

# --- scband reference (transcript-rebuilt; emitter-appended) ---
"""Pipeline reference for scband-language-16329465660246 (READ-ONLY COPY).

The authoritative reference and input builder live on the scoring server;
editing this copy changes nothing except your own understanding.
"""

import jax, jax.numpy as jnp
import numpy as np

N = 100000
E_BIN = 6400000
E_SYM = 1600000
STEPS = 5


def setup_inputs(seed: int = 0) -> dict:
    key = jax.random.key(seed)
    k1, k2, k3, k4, k5 = jax.random.split(key, 5)
    # Nonnegative sub-normalized grammar weights (probabilistic generator)
    nullary_functions = jax.random.uniform(k1, (N,), dtype=jnp.float32) / N
    binary_weight = jax.random.uniform(k2, (), dtype=jnp.float32)
    symmetric_weight = jax.random.uniform(k3, (), dtype=jnp.float32)
    # Each e-node is a triple (output_class, left_child_class, right_child_class)
    binary_edges = jax.random.randint(k4, (3, E_BIN), 0, N, dtype=jnp.int32)
    symmetric_edges = jax.random.randint(k5, (3, E_SYM), 0, N, dtype=jnp.int32)
    return {
        "nullary_functions": nullary_functions,
        "binary_weight": binary_weight,
        "symmetric_weight": symmetric_weight,
        "binary_edges": binary_edges,
        "symmetric_edges": symmetric_edges,
    }


def _compute_probs_step(nullary, binary_weight, symmetric_weight, binary_edges, symmetric_edges, probs):
    # out = nullary_functions.clone()
    out = nullary
    # binary functions: out += weight * fn.sum_product(probs, probs)
    contrib_b = probs[binary_edges[1]] * probs[binary_edges[2]]
    out = out + binary_weight * jax.ops.segment_sum(contrib_b, binary_edges[0], num_segments=N)
    # symmetric functions: out += weight * fn.sum_product(probs, probs)
    contrib_s = probs[symmetric_edges[1]] * probs[symmetric_edges[2]]
    out = out + symmetric_weight * jax.ops.segment_sum(contrib_s, symmetric_edges[0], num_segments=N)
    return out


def reference(nullary_functions, binary_weight, symmetric_weight, binary_edges, symmetric_edges):
    """compute_probs with a fixed number of fixed-point steps (min_steps=5).

    Each step is sparse message passing on the e-graph hypergraph:
    out[o] = nullary[o] + sum_{(o,l,r) in binary} w_b * probs[l]*probs[r]
                        + sum_{(o,l,r) in symmetric} w_s * probs[l]*probs[r]
    """
    probs = nullary_functions  # init_probs = nullary_functions.detach()
    for _ in range(STEPS):
        probs = _compute_probs_step(nullary_functions, binary_weight, symmetric_weight, binary_edges, symmetric_edges, probs)
    return probs

if __name__ == "__main__":
    import jax
    _d = setup_inputs()
    print(jax.jit(kernel)(*tuple(_d.values())))

</pallas_src>

<mosaic_0001>
#map = affine_map<(d0, d1) -> (0)>
module attributes {stable_mosaic.version = 14 : i64} {
  func.func @step(%arg0: i32, %arg1: i32, %arg2: memref<102400xf32, #tpu.memory_space<hbm>>, %arg3: memref<16xf32, #tpu.memory_space<hbm>>, %arg4: memref<16xf32, #tpu.memory_space<hbm>>, %arg5: memref<19200000xi32, #tpu.memory_space<hbm>>, %arg6: memref<4800000xi32, #tpu.memory_space<hbm>>, %arg7: memref<102400xf32, #tpu.memory_space<hbm>>, %arg8: memref<204800xf32, #tpu.memory_space<hbm>>, %arg9: memref<204800xf32, #tpu.memory_space<hbm>>, %arg10: memref<32xi32, #tpu.memory_space<hbm>>, %arg11: memref<100000xf32, #tpu.memory_space<vmem>>, %arg12: memref<2000xi32, #tpu.memory_space<vmem>>, %arg13: memref<2000xi32, #tpu.memory_space<vmem>>, %arg14: memref<2000xi32, #tpu.memory_space<vmem>>, %arg15: memref<2000xi32, #tpu.memory_space<vmem>>, %arg16: memref<2000xi32, #tpu.memory_space<vmem>>, %arg17: memref<2000xi32, #tpu.memory_space<vmem>>, %arg18: memref<2000xf32, #tpu.memory_space<vmem>>, %arg19: memref<2000xf32, #tpu.memory_space<vmem>>, %arg20: memref<3200xf32, #tpu.memory_space<vmem>>, %arg21: memref<3200xf32, #tpu.memory_space<vmem>>, %arg22: memref<16xf32, #tpu.memory_space<vmem>>, %arg23: memref<16xf32, #tpu.memory_space<vmem>>, %arg24: memref<16xi32, #tpu.memory_space<vmem>>, %arg25: memref<16xi32, #tpu.memory_space<vmem>>, %arg26: memref<102400xf32, #tpu.memory_space<vmem_shared>>, %arg27: memref<!tpu.dma_semaphore, #tpu.memory_space<semaphore_mem>>, %arg28: memref<!tpu.dma_semaphore, #tpu.memory_space<semaphore_mem>>) attributes {dimension_semantics = [#tpu.dimension_semantics<core_parallel>, #tpu.dimension_semantics<subcore_parallel>], iteration_bounds = array<i64: 2, 16>, scalar_prefetch = 0 : i64, scratch_operands = 18 : i64, tpu.core_type = #tpu.core_type<sc_vector_subcore>, window_params = [{transform_indices = #map}, {transform_indices = #map}, {transform_indices = #map}, {transform_indices = #map}, {transform_indices = #map}, {transform_indices = #map}, {transform_indices = #map}, {transform_indices = #map}, {transform_indices = #map}]} {
    %mul3A = arith.constant 2 : i32
    %mul3A_0 = arith.muli %arg1, %mul3A : i32
    %add3A = arith.addi %mul3A_0, %arg0 : i32
    %eq3A = arith.constant 0 : i32
    %eq3A_1 = arith.cmpi eq, %arg1, %eq3A : i32
    %convert_element_type3A = arith.extui %eq3A_1 : i1 to i32
    %cond3A = arith.constant 0 : i32
    %cond3A_2 = arith.cmpi ne, %convert_element_type3A, %cond3A : i32
    scf.if %cond3A_2 {
      %broadcast_in_dim3A = arith.constant 0 : i32
      %broadcast_in_dim3A_47 = vector.broadcast %broadcast_in_dim3A : i32 to vector<16xi32>
      %swap3A = arith.constant 0 : index
      %swap3A_48 = tpu.vector_load %arg25[%swap3A] {strides = array<i32>} : memref<16xi32, #tpu.memory_space<vmem>>, vector<16xi32>,
      tpu.vector_store %arg25[%swap3A], %broadcast_in_dim3A_47 {strides = array<i32>} : memref<16xi32, #tpu.memory_space<vmem>>, vector<16xi32>,
      %mul3A_49 = arith.constant 16 : i32
      %mul3A_50 = arith.muli %arg0, %mul3A_49 : i32
      "tpu.region"() ({
        %run_scoped3A = tpu.sem_alloc : memref<!tpu.dma_semaphore, #tpu.memory_space<semaphore_mem>>
        %dma_start3A = tpu.memref_slice %arg10[%mul3A_50] : memref<32xi32, #tpu.memory_space<hbm>> -> memref<16xi32, #tpu.memory_space<hbm>>
        %dma_start3A_51 = tpu.memref_slice %arg10[%mul3A_50] : memref<32xi32, #tpu.memory_space<hbm>> -> memref<16xi32, #tpu.memory_space<hbm>>
        tpu.enqueue_dma source(%arg25 : memref<16xi32, #tpu.memory_space<vmem>>) target(%dma_start3A_51 : memref<16xi32, #tpu.memory_space<hbm>>) target_semaphore(%run_scoped3A : memref<!tpu.dma_semaphore, #tpu.memory_space<semaphore_mem>>)
        %dma_wait3A = tpu.memref_slice %arg10[%mul3A_50] : memref<32xi32, #tpu.memory_space<hbm>> -> memref<16xi32, #tpu.memory_space<hbm>>
        %dma_wait3A_52 = tpu.memref_slice %arg10[%mul3A_50] : memref<32xi32, #tpu.memory_space<hbm>> -> memref<16xi32, #tpu.memory_space<hbm>>
        tpu.wait_dma2 semaphore(%run_scoped3A : memref<!tpu.dma_semaphore, #tpu.memory_space<semaphore_mem>>) src(%arg25 : memref<16xi32, #tpu.memory_space<vmem>>) dst(%dma_wait3A_52 : memref<16xi32, #tpu.memory_space<hbm>>)
        tpu.yield
      }) : () -> ()
    } else {
    }
    %scan3A = arith.constant 0 : i32
    %scan3A_3 = arith.constant 50 : i32
    %scan3A_4 = arith.addi %scan3A, %scan3A_3 : i32
    %scan3A_5 = arith.constant 1 : i32
    scf.for %scan3A_47 = %scan3A to %scan3A_4 step %scan3A_5  : i32 {
      %mul3A_48 = arith.constant 1 : i32
      %mul3A_49 = arith.muli %scan3A_47, %mul3A_48 : i32
      %add3A_50 = arith.constant 0 : i32
      %add3A_51 = arith.addi %add3A_50, %mul3A_49 : i32
      %broadcast_in_dim3A = arith.constant 0.000000e+00 : f32
      %broadcast_in_dim3A_52 = vector.broadcast %broadcast_in_dim3A : f32 to vector<16xf32>
      %mul3A_53 = arith.constant 16 : i32
      %mul3A_54 = arith.muli %add3A_51, %mul3A_53 : i32
      %swap3A = arith.index_cast %mul3A_54 : i32 to index
      %swap3A_55 = tpu.vector_load %arg18[%swap3A] {strides = array<i32>} : memref<2000xf32, #tpu.memory_space<vmem>>, vector<16xf32>,
      tpu.vector_store %arg18[%swap3A], %broadcast_in_dim3A_52 {strides = array<i32>} : memref<2000xf32, #tpu.memory_space<vmem>>, vector<16xf32>,
    }
    %scan3A_6 = arith.constant 50 : i32
    %mul3A_7 = arith.constant 6400 : i32
    %mul3A_8 = arith.muli %arg1, %mul3A_7 : i32
    %add3A_9 = arith.constant 0 : i32
    %add3A_10 = arith.addi %mul3A_8, %add3A_9 : i32
    "tpu.region"() ({
      %run_scoped3A = tpu.sem_alloc : memref<!tpu.dma_semaphore, #tpu.memory_space<semaphore_mem>>
      %dma_start3A = arith.constant 0 : i32
      %dma_start3A_47 = tpu.memref_slice %arg18[%dma_start3A] : memref<2000xf32, #tpu.memory_space<vmem>> -> memref<800xf32, #tpu.memory_space<vmem>>
      %dma_start3A_48 = tpu.memref_slice %arg26[%add3A_10] : memref<102400xf32, #tpu.memory_space<vmem_shared>> -> memref<800xf32, #tpu.memory_space<vmem_shared>>
      %dma_start3A_49 = tpu.memref_slice %arg26[%add3A_10] : memref<102400xf32, #tpu.memory_space<vmem_shared>> -> memref<800xf32, #tpu.memory_space<vmem_shared>>
      %dma_start3A_50 = arith.constant 0 : i32
      %dma_start3A_51 = tpu.memref_slice %arg18[%dma_start3A_50] : memref<2000xf32, #tpu.memory_space<vmem>> -> memref<800xf32, #tpu.memory_space<vmem>>
      tpu.enqueue_dma source(%dma_start3A_51 : memref<800xf32, #tpu.memory_space<vmem>>) target(%dma_start3A_49 : memref<800xf32, #tpu.memory_space<vmem_shared>>) target_semaphore(%run_scoped3A : memref<!tpu.dma_semaphore, #tpu.memory_space<semaphore_mem>>)
      %dma_wait3A = arith.constant 0 : i32
      %dma_wait3A_52 = tpu.memref_slice %arg18[%dma_wait3A] : memref<2000xf32, #tpu.memory_space<vmem>> -> memref<800xf32, #tpu.memory_space<vmem>>
      %dma_wait3A_53 = tpu.memref_slice %arg26[%add3A_10] : memref<102400xf32, #tpu.memory_space<vmem_shared>> -> memref<800xf32, #tpu.memory_space<vmem_shared>>
      %dma_wait3A_54 = tpu.memref_slice %arg26[%add3A_10] : memref<102400xf32, #tpu.memory_space<vmem_shared>> -> memref<800xf32, #tpu.memory_space<vmem_shared>>
      %dma_wait3A_55 = arith.constant 0 : i32
      %dma_wait3A_56 = tpu.memref_slice %arg18[%dma_wait3A_55] : memref<2000xf32, #tpu.memory_space<vmem>> -> memref<800xf32, #tpu.memory_space<vmem>>
      tpu.wait_dma2 semaphore(%run_scoped3A : memref<!tpu.dma_semaphore, #tpu.memory_space<semaphore_mem>>) src(%dma_wait3A_56 : memref<800xf32, #tpu.memory_space<vmem>>) dst(%dma_wait3A_54 : memref<800xf32, #tpu.memory_space<vmem_shared>>)
      tpu.yield
    }) : () -> ()
    %mul3A_11 = arith.constant 6400 : i32
    %mul3A_12 = arith.muli %arg1, %mul3A_11 : i32
    %add3A_13 = arith.constant 800 : i32
    %add3A_14 = arith.addi %mul3A_12, %add3A_13 : i32
    "tpu.region"() ({
      %run_scoped3A = tpu.sem_alloc : memref<!tpu.dma_semaphore, #tpu.memory_space<semaphore_mem>>
      %dma_start3A = arith.constant 0 : i32
      %dma_start3A_47 = tpu.memref_slice %arg18[%dma_start3A] : memref<2000xf32, #tpu.memory_space<vmem>> -> memref<800xf32, #tpu.memory_space<vmem>>
      %dma_start3A_48 = tpu.memref_slice %arg26[%add3A_14] : memref<102400xf32, #tpu.memory_space<vmem_shared>> -> memref<800xf32, #tpu.memory_space<vmem_shared>>
      %dma_start3A_49 = tpu.memref_slice %arg26[%add3A_14] : memref<102400xf32, #tpu.memory_space<vmem_shared>> -> memref<800xf32, #tpu.memory_space<vmem_shared>>
      %dma_start3A_50 = arith.constant 0 : i32
      %dma_start3A_51 = tpu.memref_slice %arg18[%dma_start3A_50] : memref<2000xf32, #tpu.memory_space<vmem>> -> memref<800xf32, #tpu.memory_space<vmem>>
      tpu.enqueue_dma source(%dma_start3A_51 : memref<800xf32, #tpu.memory_space<vmem>>) target(%dma_start3A_49 : memref<800xf32, #tpu.memory_space<vmem_shared>>) target_semaphore(%run_scoped3A : memref<!tpu.dma_semaphore, #tpu.memory_space<semaphore_mem>>)
      %dma_wait3A = arith.constant 0 : i32
      %dma_wait3A_52 = tpu.memref_slice %arg18[%dma_wait3A] : memref<2000xf32, #tpu.memory_space<vmem>> -> memref<800xf32, #tpu.memory_space<vmem>>
      %dma_wait3A_53 = tpu.memref_slice %arg26[%add3A_14] : memref<102400xf32, #tpu.memory_space<vmem_shared>> -> memref<800xf32, #tpu.memory_space<vmem_shared>>
      %dma_wait3A_54 = tpu.memref_slice %arg26[%add3A_14] : memref<102400xf32, #tpu.memory_space<vmem_shared>> -> memref<800xf32, #tpu.memory_space<vmem_shared>>
      %dma_wait3A_55 = arith.constant 0 : i32
      %dma_wait3A_56 = tpu.memref_slice %arg18[%dma_wait3A_55] : memref<2000xf32, #tpu.memory_space<vmem>> -> memref<800xf32, #tpu.memory_space<vmem>>
      tpu.wait_dma2 semaphore(%run_scoped3A : memref<!tpu.dma_semaphore, #tpu.memory_space<semaphore_mem>>) src(%dma_wait3A_56 : memref<800xf32, #tpu.memory_space<vmem>>) dst(%dma_wait3A_54 : memref<800xf32, #tpu.memory_space<vmem_shared>>)
      tpu.yield
    }) : () -> ()
    %mul3A_15 = arith.constant 6400 : i32
    %mul3A_16 = arith.muli %arg1, %mul3A_15 : i32
    %add3A_17 = arith.constant 1600 : i32
    %add3A_18 = arith.addi %mul3A_16, %add3A_17 : i32
    "tpu.region"() ({
      %run_scoped3A = tpu.sem_alloc : memref<!tpu.dma_semaphore, #tpu.memory_space<semaphore_mem>>
      %dma_start3A = arith.constant 0 : i32
      %dma_start3A_47 = tpu.memref_slice %arg18[%dma_start3A] : memref<2000xf32, #tpu.memory_space<vmem>> -> memref<800xf32, #tpu.memory_space<vmem>>
      %dma_start3A_48 = tpu.memref_slice %arg26[%add3A_18] : memref<102400xf32, #tpu.memory_space<vmem_shared>> -> memref<800xf32, #tpu.memory_space<vmem_shared>>
      %dma_start3A_49 = tpu.memref_slice %arg26[%add3A_18] : memref<102400xf32, #tpu.memory_space<vmem_shared>> -> memref<800xf32, #tpu.memory_space<vmem_shared>>
      %dma_start3A_50 = arith.constant 0 : i32
      %dma_start3A_51 = tpu.memref_slice %arg18[%dma_start3A_50] : memref<2000xf32, #tpu.memory_space<vmem>> -> memref<800xf32, #tpu.memory_space<vmem>>
      tpu.enqueue_dma source(%dma_start3A_51 : memref<800xf32, #tpu.memory_space<vmem>>) target(%dma_start3A_49 : memref<800xf32, #tpu.memory_space<vmem_shared>>) target_semaphore(%run_scoped3A : memref<!tpu.dma_semaphore, #tpu.memory_space<semaphore_mem>>)
      %dma_wait3A = arith.constant 0 : i32
      %dma_wait3A_52 = tpu.memref_slice %arg18[%dma_wait3A] : memref<2000xf32, #tpu.memory_space<vmem>> -> memref<800xf32, #tpu.memory_space<vmem>>
      %dma_wait3A_53 = tpu.memref_slice %arg26[%add3A_18] : memref<102400xf32, #tpu.memory_space<vmem_shared>> -> memref<800xf32, #tpu.memory_space<vmem_shared>>
      %dma_wait3A_54 = tpu.memref_slice %arg26[%add3A_18] : memref<102400xf32, #tpu.memory_space<vmem_shared>> -> memref<800xf32, #tpu.memory_space<vmem_shared>>
      %dma_wait3A_55 = arith.constant 0 : i32
      %dma_wait3A_56 = tpu.memref_slice %arg18[%dma_wait3A_55] : memref<2000xf32, #tpu.memory_space<vmem>> -> memref<800xf32, #tpu.memory_space<vmem>>
      tpu.wait_dma2 semaphore(%run_scoped3A : memref<!tpu.dma_semaphore, #tpu.memory_space<semaphore_mem>>) src(%dma_wait3A_56 : memref<800xf32, #tpu.memory_space<vmem>>) dst(%dma_wait3A_54 : memref<800xf32, #tpu.memory_space<vmem_shared>>)
      tpu.yield
    }) : () -> ()
    %mul3A_19 = arith.constant 6400 : i32
    %mul3A_20 = arith.muli %arg1, %mul3A_19 : i32
    %add3A_21 = arith.constant 2400 : i32
    %add3A_22 = arith.addi %mul3A_20, %add3A_21 : i32
    "tpu.region"() ({
      %run_scoped3A = tpu.sem_alloc : memref<!tpu.dma_semaphore, #tpu.memory_space<semaphore_mem>>
      %dma_start3A = arith.constant 0 : i32
      %dma_start3A_47 = tpu.memref_slice %arg18[%dma_start3A] : memref<2000xf32, #tpu.memory_space<vmem>> -> memref<800xf32, #tpu.memory_space<vmem>>
      %dma_start3A_48 = tpu.memref_slice %arg26[%add3A_22] : memref<102400xf32, #tpu.memory_space<vmem_shared>> -> memref<800xf32, #tpu.memory_space<vmem_shared>>
      %dma_start3A_49 = tpu.memref_slice %arg26[%add3A_22] : memref<102400xf32, #tpu.memory_space<vmem_shared>> -> memref<800xf32, #tpu.memory_space<vmem_shared>>
      %dma_start3A_50 = arith.constant 0 : i32
      %dma_start3A_51 = tpu.memref_slice %arg18[%dma_start3A_50] : memref<2000xf32, #tpu.memory_space<vmem>> -> memref<800xf32, #tpu.memory_space<vmem>>
      tpu.enqueue_dma source(%dma_start3A_51 : memref<800xf32, #tpu.memory_space<vmem>>) target(%dma_start3A_49 : memref<800xf32, #tpu.memory_space<vmem_shared>>) target_semaphore(%run_scoped3A : memref<!tpu.dma_semaphore, #tpu.memory_space<semaphore_mem>>)
      %dma_wait3A = arith.constant 0 : i32
      %dma_wait3A_52 = tpu.memref_slice %arg18[%dma_wait3A] : memref<2000xf32, #tpu.memory_space<vmem>> -> memref<800xf32, #tpu.memory_space<vmem>>
      %dma_wait3A_53 = tpu.memref_slice %arg26[%add3A_22] : memref<102400xf32, #tpu.memory_space<vmem_shared>> -> memref<800xf32, #tpu.memory_space<vmem_shared>>
      %dma_wait3A_54 = tpu.memref_slice %arg26[%add3A_22] : memref<102400xf32, #tpu.memory_space<vmem_shared>> -> memref<800xf32, #tpu.memory_space<vmem_shared>>
      %dma_wait3A_55 = arith.constant 0 : i32
      %dma_wait3A_56 = tpu.memref_slice %arg18[%dma_wait3A_55] : memref<2000xf32, #tpu.memory_space<vmem>> -> memref<800xf32, #tpu.memory_space<vmem>>
      tpu.wait_dma2 semaphore(%run_scoped3A : memref<!tpu.dma_semaphore, #tpu.memory_space<semaphore_mem>>) src(%dma_wait3A_56 : memref<800xf32, #tpu.memory_space<vmem>>) dst(%dma_wait3A_54 : memref<800xf32, #tpu.memory_space<vmem_shared>>)
      tpu.yield
    }) : () -> ()
    %mul3A_23 = arith.constant 6400 : i32
    %mul3A_24 = arith.muli %arg1, %mul3A_23 : i32
    %add3A_25 = arith.constant 3200 : i32
    %add3A_26 = arith.addi %mul3A_24, %add3A_25 : i32
    "tpu.region"() ({
      %run_scoped3A = tpu.sem_alloc : memref<!tpu.dma_semaphore, #tpu.memory_space<semaphore_mem>>
      %dma_start3A = arith.constant 0 : i32
      %dma_start3A_47 = tpu.memref_slice %arg18[%dma_start3A] : memref<2000xf32, #tpu.memory_space<vmem>> -> memref<800xf32, #tpu.memory_space<vmem>>
      %dma_start3A_48 = tpu.memref_slice %arg26[%add3A_26] : memref<102400xf32, #tpu.memory_space<vmem_shared>> -> memref<800xf32, #tpu.memory_space<vmem_shared>>
      %dma_start3A_49 = tpu.memref_slice %arg26[%add3A_26] : memref<102400xf32, #tpu.memory_space<vmem_shared>> -> memref<800xf32, #tpu.memory_space<vmem_shared>>
      %dma_start3A_50 = arith.constant 0 : i32
      %dma_start3A_51 = tpu.memref_slice %arg18[%dma_start3A_50] : memref<2000xf32, #tpu.memory_space<vmem>> -> memref<800xf32, #tpu.memory_space<vmem>>
      tpu.enqueue_dma source(%dma_start3A_51 : memref<800xf32, #tpu.memory_space<vmem>>) target(%dma_start3A_49 : memref<800xf32, #tpu.memory_space<vmem_shared>>) target_semaphore(%run_scoped3A : memref<!tpu.dma_semaphore, #tpu.memory_space<semaphore_mem>>)
      %dma_wait3A = arith.constant 0 : i32
      %dma_wait3A_52 = tpu.memref_slice %arg18[%dma_wait3A] : memref<2000xf32, #tpu.memory_space<vmem>> -> memref<800xf32, #tpu.memory_space<vmem>>
      %dma_wait3A_53 = tpu.memref_slice %arg26[%add3A_26] : memref<102400xf32, #tpu.memory_space<vmem_shared>> -> memref<800xf32, #tpu.memory_space<vmem_shared>>
      %dma_wait3A_54 = tpu.memref_slice %arg26[%add3A_26] : memref<102400xf32, #tpu.memory_space<vmem_shared>> -> memref<800xf32, #tpu.memory_space<vmem_shared>>
      %dma_wait3A_55 = arith.constant 0 : i32
      %dma_wait3A_56 = tpu.memref_slice %arg18[%dma_wait3A_55] : memref<2000xf32, #tpu.memory_space<vmem>> -> memref<800xf32, #tpu.memory_space<vmem>>
      tpu.wait_dma2 semaphore(%run_scoped3A : memref<!tpu.dma_semaphore, #tpu.memory_space<semaphore_mem>>) src(%dma_wait3A_56 : memref<800xf32, #tpu.memory_space<vmem>>) dst(%dma_wait3A_54 : memref<800xf32, #tpu.memory_space<vmem_shared>>)
      tpu.yield
    }) : () -> ()
    %mul3A_27 = arith.constant 6400 : i32
    %mul3A_28 = arith.muli %arg1, %mul3A_27 : i32
    %add3A_29 = arith.constant 4000 : i32
    %add3A_30 = arith.addi %mul3A_28, %add3A_29 : i32
    "tpu.region"() ({
      %run_scoped3A = tpu.sem_alloc : memref<!tpu.dma_semaphore, #tpu.memory_space<semaphore_mem>>
      %dma_start3A = arith.constant 0 : i32
      %dma_start3A_47 = tpu.memref_slice %arg18[%dma_start3A] : memref<2000xf32, #tpu.memory_space<vmem>> -> memref<800xf32, #tpu.memory_space<vmem>>
      %dma_start3A_48 = tpu.memref_slice %arg26[%add3A_30] : memref<102400xf32, #tpu.memory_space<vmem_shared>> -> memref<800xf32, #tpu.memory_space<vmem_shared>>
      %dma_start3A_49 = tpu.memref_slice %arg26[%add3A_30] : memref<102400xf32, #tpu.memory_space<vmem_shared>> -> memref<800xf32, #tpu.memory_space<vmem_shared>>
      %dma_start3A_50 = arith.constant 0 : i32
      %dma_start3A_51 = tpu.memref_slice %arg18[%dma_start3A_50] : memref<2000xf32, #tpu.memory_space<vmem>> -> memref<800xf32, #tpu.memory_space<vmem>>
      tpu.enqueue_dma source(%dma_start3A_51 : memref<800xf32, #tpu.memory_space<vmem>>) target(%dma_start3A_49 : memref<800xf32, #tpu.memory_space<vmem_shared>>) target_semaphore(%run_scoped3A : memref<!tpu.dma_semaphore, #tpu.memory_space<semaphore_mem>>)
      %dma_wait3A = arith.constant 0 : i32
      %dma_wait3A_52 = tpu.memref_slice %arg18[%dma_wait3A] : memref<2000xf32, #tpu.memory_space<vmem>> -> memref<800xf32, #tpu.memory_space<vmem>>
      %dma_wait3A_53 = tpu.memref_slice %arg26[%add3A_30] : memref<102400xf32, #tpu.memory_space<vmem_shared>> -> memref<800xf32, #tpu.memory_space<vmem_shared>>
      %dma_wait3A_54 = tpu.memref_slice %arg26[%add3A_30] : memref<102400xf32, #tpu.memory_space<vmem_shared>> -> memref<800xf32, #tpu.memory_space<vmem_shared>>
      %dma_wait3A_55 = arith.constant 0 : i32
      %dma_wait3A_56 = tpu.memref_slice %arg18[%dma_wait3A_55] : memref<2000xf32, #tpu.memory_space<vmem>> -> memref<800xf32, #tpu.memory_space<vmem>>
      tpu.wait_dma2 semaphore(%run_scoped3A : memref<!tpu.dma_semaphore, #tpu.memory_space<semaphore_mem>>) src(%dma_wait3A_56 : memref<800xf32, #tpu.memory_space<vmem>>) dst(%dma_wait3A_54 : memref<800xf32, #tpu.memory_space<vmem_shared>>)
      tpu.yield
    }) : () -> ()
    %mul3A_31 = arith.constant 6400 : i32
    %mul3A_32 = arith.muli %arg1, %mul3A_31 : i32
    %add3A_33 = arith.constant 4800 : i32
    %add3A_34 = arith.addi %mul3A_32, %add3A_33 : i32
    "tpu.region"() ({
      %run_scoped3A = tpu.sem_alloc : memref<!tpu.dma_semaphore, #tpu.memory_space<semaphore_mem>>
      %dma_start3A = arith.constant 0 : i32
      %dma_start3A_47 = tpu.memref_slice %arg18[%dma_start3A] : memref<2000xf32, #tpu.memory_space<vmem>> -> memref<800xf32, #tpu.memory_space<vmem>>
      %dma_start3A_48 = tpu.memref_slice %arg26[%add3A_34] : memref<102400xf32, #tpu.memory_space<vmem_shared>> -> memref<800xf32, #tpu.memory_space<vmem_shared>>
      %dma_start3A_49 = tpu.memref_slice %arg26[%add3A_34] : memref<102400xf32, #tpu.memory_space<vmem_shared>> -> memref<800xf32, #tpu.memory_space<vmem_shared>>
      %dma_start3A_50 = arith.constant 0 : i32
      %dma_start3A_51 = tpu.memref_slice %arg18[%dma_start3A_50] : memref<2000xf32, #tpu.memory_space<vmem>> -> memref<800xf32, #tpu.memory_space<vmem>>
      tpu.enqueue_dma source(%dma_start3A_51 : memref<800xf32, #tpu.memory_space<vmem>>) target(%dma_start3A_49 : memref<800xf32, #tpu.memory_space<vmem_shared>>) target_semaphore(%run_scoped3A : memref<!tpu.dma_semaphore, #tpu.memory_space<semaphore_mem>>)
      %dma_wait3A = arith.constant 0 : i32
      %dma_wait3A_52 = tpu.memref_slice %arg18[%dma_wait3A] : memref<2000xf32, #tpu.memory_space<vmem>> -> memref<800xf32, #tpu.memory_space<vmem>>
      %dma_wait3A_53 = tpu.memref_slice %arg26[%add3A_34] : memref<102400xf32, #tpu.memory_space<vmem_shared>> -> memref<800xf32, #tpu.memory_space<vmem_shared>>
      %dma_wait3A_54 = tpu.memref_slice %arg26[%add3A_34] : memref<102400xf32, #tpu.memory_space<vmem_shared>> -> memref<800xf32, #tpu.memory_space<vmem_shared>>
      %dma_wait3A_55 = arith.constant 0 : i32
      %dma_wait3A_56 = tpu.memref_slice %arg18[%dma_wait3A_55] : memref<2000xf32, #tpu.memory_space<vmem>> -> memref<800xf32, #tpu.memory_space<vmem>>
      tpu.wait_dma2 semaphore(%run_scoped3A : memref<!tpu.dma_semaphore, #tpu.memory_space<semaphore_mem>>) src(%dma_wait3A_56 : memref<800xf32, #tpu.memory_space<vmem>>) dst(%dma_wait3A_54 : memref<800xf32, #tpu.memory_space<vmem_shared>>)
      tpu.yield
    }) : () -> ()
    %mul3A_35 = arith.constant 6400 : i32
    %mul3A_36 = arith.muli %arg1, %mul3A_35 : i32
    %add3A_37 = arith.constant 5600 : i32
    %add3A_38 = arith.addi %mul3A_36, %add3A_37 : i32
    "tpu.region"() ({
      %run_scoped3A = tpu.sem_alloc : memref<!tpu.dma_semaphore, #tpu.memory_space<semaphore_mem>>
      %dma_start3A = arith.constant 0 : i32
      %dma_start3A_47 = tpu.memref_slice %arg18[%dma_start3A] : memref<2000xf32, #tpu.memory_space<vmem>> -> memref<800xf32, #tpu.memory_space<vmem>>
      %dma_start3A_48 = tpu.memref_slice %arg26[%add3A_38] : memref<102400xf32, #tpu.memory_space<vmem_shared>> -> memref<800xf32, #tpu.memory_space<vmem_shared>>
      %dma_start3A_49 = tpu.memref_slice %arg26[%add3A_38] : memref<102400xf32, #tpu.memory_space<vmem_shared>> -> memref<800xf32, #tpu.memory_space<vmem_shared>>
      %dma_start3A_50 = arith.constant 0 : i32
      %dma_start3A_51 = tpu.memref_slice %arg18[%dma_start3A_50] : memref<2000xf32, #tpu.memory_space<vmem>> -> memref<800xf32, #tpu.memory_space<vmem>>
      tpu.enqueue_dma source(%dma_start3A_51 : memref<800xf32, #tpu.memory_space<vmem>>) target(%dma_start3A_49 : memref<800xf32, #tpu.memory_space<vmem_shared>>) target_semaphore(%run_scoped3A : memref<!tpu.dma_semaphore, #tpu.memory_space<semaphore_mem>>)
      %dma_wait3A = arith.constant 0 : i32
      %dma_wait3A_52 = tpu.memref_slice %arg18[%dma_wait3A] : memref<2000xf32, #tpu.memory_space<vmem>> -> memref<800xf32, #tpu.memory_space<vmem>>
      %dma_wait3A_53 = tpu.memref_slice %arg26[%add3A_38] : memref<102400xf32, #tpu.memory_space<vmem_shared>> -> memref<800xf32, #tpu.memory_space<vmem_shared>>
      %dma_wait3A_54 = tpu.memref_slice %arg26[%add3A_38] : memref<102400xf32, #tpu.memory_space<vmem_shared>> -> memref<800xf32, #tpu.memory_space<vmem_shared>>
      %dma_wait3A_55 = arith.constant 0 : i32
      %dma_wait3A_56 = tpu.memref_slice %arg18[%dma_wait3A_55] : memref<2000xf32, #tpu.memory_space<vmem>> -> memref<800xf32, #tpu.memory_space<vmem>>
      tpu.wait_dma2 semaphore(%run_scoped3A : memref<!tpu.dma_semaphore, #tpu.memory_space<semaphore_mem>>) src(%dma_wait3A_56 : memref<800xf32, #tpu.memory_space<vmem>>) dst(%dma_wait3A_54 : memref<800xf32, #tpu.memory_space<vmem_shared>>)
      tpu.yield
    }) : () -> ()
    "tpu.region"() ({
      %run_scoped3A = tpu.sem_alloc : memref<!tpu.dma_semaphore, #tpu.memory_space<semaphore_mem>>
      %dma_start3A = arith.constant 0 : i32
      %dma_start3A_47 = tpu.memref_slice %arg2[%dma_start3A] : memref<102400xf32, #tpu.memory_space<hbm>> -> memref<100000xf32, #tpu.memory_space<hbm>>
      %dma_start3A_48 = arith.constant 0 : i32
      %dma_start3A_49 = tpu.memref_slice %arg2[%dma_start3A_48] : memref<102400xf32, #tpu.memory_space<hbm>> -> memref<100000xf32, #tpu.memory_space<hbm>>
      tpu.enqueue_dma source(%dma_start3A_49 : memref<100000xf32, #tpu.memory_space<hbm>>) target(%arg11 : memref<100000xf32, #tpu.memory_space<vmem>>) target_semaphore(%run_scoped3A : memref<!tpu.dma_semaphore, #tpu.memory_space<semaphore_mem>>)
      %dma_wait3A = arith.constant 0 : i32
      %dma_wait3A_50 = tpu.memref_slice %arg2[%dma_wait3A] : memref<102400xf32, #tpu.memory_space<hbm>> -> memref<100000xf32, #tpu.memory_space<hbm>>
      %dma_wait3A_51 = arith.constant 0 : i32
      %dma_wait3A_52 = tpu.memref_slice %arg2[%dma_wait3A_51] : memref<102400xf32, #tpu.memory_space<hbm>> -> memref<100000xf32, #tpu.memory_space<hbm>>
      tpu.wait_dma2 semaphore(%run_scoped3A : memref<!tpu.dma_semaphore, #tpu.memory_space<semaphore_mem>>) src(%dma_wait3A_52 : memref<100000xf32, #tpu.memory_space<hbm>>) dst(%arg11 : memref<100000xf32, #tpu.memory_space<vmem>>)
      tpu.yield
    }) : () -> ()
    "tpu.region"() ({
      %run_scoped3A = tpu.sem_alloc : memref<!tpu.dma_semaphore, #tpu.memory_space<semaphore_mem>>
      tpu.enqueue_dma source(%arg3 : memref<16xf32, #tpu.memory_space<hbm>>) target(%arg22 : memref<16xf32, #tpu.memory_space<vmem>>) target_semaphore(%run_scoped3A : memref<!tpu.dma_semaphore, #tpu.memory_space<semaphore_mem>>)
      tpu.wait_dma2 semaphore(%run_scoped3A : memref<!tpu.dma_semaphore, #tpu.memory_space<semaphore_mem>>) src(%arg3 : memref<16xf32, #tpu.memory_space<hbm>>) dst(%arg22 : memref<16xf32, #tpu.memory_space<vmem>>)
      tpu.yield
    }) : () -> ()
    "tpu.region"() ({
      %run_scoped3A = tpu.sem_alloc : memref<!tpu.dma_semaphore, #tpu.memory_space<semaphore_mem>>
      tpu.enqueue_dma source(%arg4 : memref<16xf32, #tpu.memory_space<hbm>>) target(%arg23 : memref<16xf32, #tpu.memory_space<vmem>>) target_semaphore(%run_scoped3A : memref<!tpu.dma_semaphore, #tpu.memory_space<semaphore_mem>>)
      tpu.wait_dma2 semaphore(%run_scoped3A : memref<!tpu.dma_semaphore, #tpu.memory_space<semaphore_mem>>) src(%arg4 : memref<16xf32, #tpu.memory_space<hbm>>) dst(%arg23 : memref<16xf32, #tpu.memory_space<vmem>>)
      tpu.yield
    }) : () -> ()
    %get3A = arith.constant 0 : index
    %get3A_39 = tpu.vector_load %arg22[%get3A] {strides = array<i32>} : memref<16xf32, #tpu.memory_space<vmem>>, vector<16xf32>,
    %get3A_40 = arith.constant 0 : index
    %get3A_41 = tpu.vector_load %arg23[%get3A_40] {strides = array<i32>} : memref<16xf32, #tpu.memory_space<vmem>>, vector<16xf32>,
    %barrier3A = arith.constant 0 : index
    tpu.barrier barrier_id(%barrier3A)
    %scan3A_42 = arith.constant 0 : i32
    %scan3A_43 = arith.constant 5 : i32
    %scan3A_44 = arith.addi %scan3A_42, %scan3A_43 : i32
    %scan3A_45 = arith.constant 1 : i32
    scf.for %scan3A_47 = %scan3A_42 to %scan3A_44 step %scan3A_45  : i32 {
      %mul3A_48 = arith.constant 1 : i32
      %mul3A_49 = arith.muli %scan3A_47, %mul3A_48 : i32
      %add3A_50 = arith.constant 0 : i32
      %add3A_51 = arith.addi %add3A_50, %mul3A_49 : i32
      %mul3A_52 = arith.constant 200000 : i32
      %mul3A_53 = arith.muli %add3A, %mul3A_52 : i32
      %dma_start3A = tpu.memref_slice %arg5[%mul3A_53] : memref<19200000xi32, #tpu.memory_space<hbm>> -> memref<2000xi32, #tpu.memory_space<hbm>>
      %dma_start3A_54 = tpu.memref_slice %arg5[%mul3A_53] : memref<19200000xi32, #tpu.memory_space<hbm>> -> memref<2000xi32, #tpu.memory_space<hbm>>
      tpu.enqueue_dma source(%dma_start3A_54 : memref<2000xi32, #tpu.memory_space<hbm>>) target(%arg12 : memref<2000xi32, #tpu.memory_space<vmem>>) target_semaphore(%arg27 : memref<!tpu.dma_semaphore, #tpu.memory_space<semaphore_mem>>)
      %add3A_55 = arith.constant 6400000 : i32
      %add3A_56 = arith.addi %add3A_55, %mul3A_53 : i32
      %dma_start3A_57 = tpu.memref_slice %arg5[%add3A_56] : memref<19200000xi32, #tpu.memory_space<hbm>> -> memref<2000xi32, #tpu.memory_space<hbm>>
      %dma_start3A_58 = tpu.memref_slice %arg5[%add3A_56] : memref<19200000xi32, #tpu.memory_space<hbm>> -> memref<2000xi32, #tpu.memory_space<hbm>>
      tpu.enqueue_dma source(%dma_start3A_58 : memref<2000xi32, #tpu.memory_space<hbm>>) target(%arg13 : memref<2000xi32, #tpu.memory_space<vmem>>) target_semaphore(%arg27 : memref<!tpu.dma_semaphore, #tpu.memory_space<semaphore_mem>>)
      %add3A_59 = arith.constant 12800000 : i32
      %add3A_60 = arith.addi %add3A_59, %mul3A_53 : i32
      %dma_start3A_61 = tpu.memref_slice %arg5[%add3A_60] : memref<19200000xi32, #tpu.memory_space<hbm>> -> memref<2000xi32, #tpu.memory_space<hbm>>
      %dma_start3A_62 = tpu.memref_slice %arg5[%add3A_60] : memref<19200000xi32, #tpu.memory_space<hbm>> -> memref<2000xi32, #tpu.memory_space<hbm>>
      tpu.enqueue_dma source(%dma_start3A_62 : memref<2000xi32, #tpu.memory_space<hbm>>) target(%arg14 : memref<2000xi32, #tpu.memory_space<vmem>>) target_semaphore(%arg27 : memref<!tpu.dma_semaphore, #tpu.memory_space<semaphore_mem>>)
      %scan3A_63 = arith.constant 0 : i32
      %scan3A_64 = arith.constant 50 : i32
      %scan3A_65 = arith.addi %scan3A_63, %scan3A_64 : i32
      %scan3A_66 = arith.constant 1 : i32
      scf.for %scan3A_223 = %scan3A_63 to %scan3A_65 step %scan3A_66  : i32 {
        %mul3A_224 = arith.constant 1 : i32
        %mul3A_225 = arith.muli %scan3A_223, %mul3A_224 : i32
        %add3A_226 = arith.constant 0 : i32
        %add3A_227 = arith.addi %add3A_226, %mul3A_225 : i32
        %mul3A_228 = arith.constant 2 : i32
        %mul3A_229 = arith.muli %mul3A_228, %add3A_227 : i32
        %mul3A_230 = arith.constant 2000 : i32
        %mul3A_231 = arith.muli %mul3A_229, %mul3A_230 : i32
        %add3A_232 = arith.addi %mul3A_53, %mul3A_231 : i32
        %add3A_233 = arith.constant 2000 : i32
        %add3A_234 = arith.addi %add3A_232, %add3A_233 : i32
        %dma_start3A_235 = tpu.memref_slice %arg5[%add3A_234] : memref<19200000xi32, #tpu.memory_space<hbm>> -> memref<2000xi32, #tpu.memory_space<hbm>>
        %dma_start3A_236 = tpu.memref_slice %arg5[%add3A_234] : memref<19200000xi32, #tpu.memory_space<hbm>> -> memref<2000xi32, #tpu.memory_space<hbm>>
        tpu.enqueue_dma source(%dma_start3A_236 : memref<2000xi32, #tpu.memory_space<hbm>>) target(%arg15 : memref<2000xi32, #tpu.memory_space<vmem>>) target_semaphore(%arg28 : memref<!tpu.dma_semaphore, #tpu.memory_space<semaphore_mem>>)
        %add3A_237 = arith.constant 6400000 : i32
        %add3A_238 = arith.addi %add3A_237, %add3A_234 : i32
        %dma_start3A_239 = tpu.memref_slice %arg5[%add3A_238] : memref<19200000xi32, #tpu.memory_space<hbm>> -> memref<2000xi32, #tpu.memory_space<hbm>>
        %dma_start3A_240 = tpu.memref_slice %arg5[%add3A_238] : memref<19200000xi32, #tpu.memory_space<hbm>> -> memref<2000xi32, #tpu.memory_space<hbm>>
        tpu.enqueue_dma source(%dma_start3A_240 : memref<2000xi32, #tpu.memory_space<hbm>>) target(%arg16 : memref<2000xi32, #tpu.memory_space<vmem>>) target_semaphore(%arg28 : memref<!tpu.dma_semaphore, #tpu.memory_space<semaphore_mem>>)
        %add3A_241 = arith.constant 12800000 : i32
        %add3A_242 = arith.addi %add3A_241, %add3A_234 : i32
        %dma_start3A_243 = tpu.memref_slice %arg5[%add3A_242] : memref<19200000xi32, #tpu.memory_space<hbm>> -> memref<2000xi32, #tpu.memory_space<hbm>>
        %dma_start3A_244 = tpu.memref_slice %arg5[%add3A_242] : memref<19200000xi32, #tpu.memory_space<hbm>> -> memref<2000xi32, #tpu.memory_space<hbm>>
        tpu.enqueue_dma source(%dma_start3A_244 : memref<2000xi32, #tpu.memory_space<hbm>>) target(%arg17 : memref<2000xi32, #tpu.memory_space<vmem>>) target_semaphore(%arg28 : memref<!tpu.dma_semaphore, #tpu.memory_space<semaphore_mem>>)
        %dma_wait3A_245 = arith.constant 0 : i32
        %dma_wait3A_246 = tpu.memref_slice %arg5[%dma_wait3A_245] : memref<19200000xi32, #tpu.memory_space<hbm>> -> memref<2000xi32, #tpu.memory_space<hbm>>
        %dma_wait3A_247 = arith.constant 0 : i32
        %dma_wait3A_248 = tpu.memref_slice %arg5[%dma_wait3A_247] : memref<19200000xi32, #tpu.memory_space<hbm>> -> memref<2000xi32, #tpu.memory_space<hbm>>
        tpu.wait_dma2 semaphore(%arg27 : memref<!tpu.dma_semaphore, #tpu.memory_space<semaphore_mem>>) src(%dma_wait3A_248 : memref<2000xi32, #tpu.memory_space<hbm>>) dst(%arg12 : memref<2000xi32, #tpu.memory_space<vmem>>)
        %dma_wait3A_249 = arith.constant 0 : i32
        %dma_wait3A_250 = tpu.memref_slice %arg5[%dma_wait3A_249] : memref<19200000xi32, #tpu.memory_space<hbm>> -> memref<2000xi32, #tpu.memory_space<hbm>>
        %dma_wait3A_251 = arith.constant 0 : i32
        %dma_wait3A_252 = tpu.memref_slice %arg5[%dma_wait3A_251] : memref<19200000xi32, #tpu.memory_space<hbm>> -> memref<2000xi32, #tpu.memory_space<hbm>>
        tpu.wait_dma2 semaphore(%arg27 : memref<!tpu.dma_semaphore, #tpu.memory_space<semaphore_mem>>) src(%dma_wait3A_252 : memref<2000xi32, #tpu.memory_space<hbm>>) dst(%arg13 : memref<2000xi32, #tpu.memory_space<vmem>>)
        %dma_wait3A_253 = arith.constant 0 : i32
        %dma_wait3A_254 = tpu.memref_slice %arg5[%dma_wait3A_253] : memref<19200000xi32, #tpu.memory_space<hbm>> -> memref<2000xi32, #tpu.memory_space<hbm>>
        %dma_wait3A_255 = arith.constant 0 : i32
        %dma_wait3A_256 = tpu.memref_slice %arg5[%dma_wait3A_255] : memref<19200000xi32, #tpu.memory_space<hbm>> -> memref<2000xi32, #tpu.memory_space<hbm>>
        tpu.wait_dma2 semaphore(%arg27 : memref<!tpu.dma_semaphore, #tpu.memory_space<semaphore_mem>>) src(%dma_wait3A_256 : memref<2000xi32, #tpu.memory_space<hbm>>) dst(%arg14 : memref<2000xi32, #tpu.memory_space<vmem>>)
        %parallel_loop3A_257 = arith.constant 0 : i32
        %parallel_loop3A_258 = arith.constant 125 : i32
        %parallel_loop3A_259 = arith.constant 1 : i32
        scf.for %parallel_loop3A_284 = %parallel_loop3A_257 to %parallel_loop3A_258 step %parallel_loop3A_259  : i32 {
          %parallel_loop3A_285 = arith.constant 16 : i32
          %parallel_loop3A_286 = arith.muli %parallel_loop3A_284, %parallel_loop3A_285 : i32
          %parallel_loop3A_287 = arith.index_cast %parallel_loop3A_286 : i32 to index
          %parallel_loop3A_288 = tpu.vector_load %arg13[%parallel_loop3A_287] {strides = array<i32>} : memref<2000xi32, #tpu.memory_space<vmem>>, vector<16xi32>,
          %parallel_loop3A_289 = arith.constant 16 : i32
          %parallel_loop3A_290 = arith.muli %parallel_loop3A_284, %parallel_loop3A_289 : i32
          %parallel_loop3A_291 = arith.index_cast %parallel_loop3A_290 : i32 to index
          %parallel_loop3A_292 = tpu.vector_load %arg14[%parallel_loop3A_291] {strides = array<i32>} : memref<2000xi32, #tpu.memory_space<vmem>>, vector<16xi32>,
          %parallel_loop3A_293 = tpu.vector_load_idx %arg11[%parallel_loop3A_288] : memref<100000xf32, #tpu.memory_space<vmem>>[vector<16xi32>], vector<16xf32>,
          %parallel_loop3A_294 = tpu.vector_load_idx %arg11[%parallel_loop3A_292] : memref<100000xf32, #tpu.memory_space<vmem>>[vector<16xi32>], vector<16xf32>,
          %parallel_loop3A_295 = arith.mulf %parallel_loop3A_293, %parallel_loop3A_294 : vector<16xf32>
          %parallel_loop3A_296 = arith.mulf %parallel_loop3A_295, %get3A_39 : vector<16xf32>
          %parallel_loop3A_297 = arith.constant 16 : i32
          %parallel_loop3A_298 = arith.muli %parallel_loop3A_284, %parallel_loop3A_297 : i32
          %parallel_loop3A_299 = arith.index_cast %parallel_loop3A_298 : i32 to index
          %parallel_loop3A_300 = tpu.vector_load %arg18[%parallel_loop3A_299] {strides = array<i32>} : memref<2000xf32, #tpu.memory_space<vmem>>, vector<16xf32>,
          tpu.vector_store %arg18[%parallel_loop3A_299], %parallel_loop3A_296 {strides = array<i32>} : memref<2000xf32, #tpu.memory_space<vmem>>, vector<16xf32>,
        } {sc.loop_unroll_factor = 4 : i64, sc.parallel_access}
        "tpu.region"() ({
          %run_scoped3A = tpu.sem_alloc : memref<!tpu.dma_semaphore, #tpu.memory_space<semaphore_mem>>
          %dma_start3A_284 = arith.constant 0 : i32
          %dma_start3A_285 = tpu.memref_slice %arg26[%dma_start3A_284] : memref<102400xf32, #tpu.memory_space<vmem_shared>> -> memref<102400xf32, #tpu.memory_space<vmem_shared>>
          tpu.enqueue_indirect_dma source(%arg18 : memref<2000xf32, #tpu.memory_space<vmem>>) target(%dma_start3A_285 : memref<102400xf32, #tpu.memory_space<vmem_shared>>) offsets(%arg12 : memref<2000xi32, #tpu.memory_space<vmem>>) semaphore(%run_scoped3A : memref<!tpu.dma_semaphore, #tpu.memory_space<semaphore_mem>>) {add = true}
          %dma_wait3A_286 = arith.constant 0 : i32
          %dma_wait3A_287 = tpu.memref_slice %arg26[%dma_wait3A_286] : memref<102400xf32, #tpu.memory_space<vmem_shared>> -> memref<102400xf32, #tpu.memory_space<vmem_shared>>
          tpu.wait_indirect_dma semaphore(%run_scoped3A : memref<!tpu.dma_semaphore, #tpu.memory_space<semaphore_mem>>) src(%arg18 : memref<2000xf32, #tpu.memory_space<vmem>>) dst(%dma_wait3A_287 : memref<102400xf32, #tpu.memory_space<vmem_shared>>)
          tpu.yield
        }) : () -> ()
        %mul3A_260 = arith.constant 2 : i32
        %mul3A_261 = arith.muli %mul3A_260, %add3A_227 : i32
        %add3A_262 = arith.constant 2 : i32
        %add3A_263 = arith.addi %mul3A_261, %add3A_262 : i32
        %lt3A_264 = arith.constant 100 : i32
        %lt3A_265 = arith.cmpi slt, %add3A_263, %lt3A_264 : i32
        %convert_element_type3A_266 = arith.extui %lt3A_265 : i1 to i32
        %cond3A_267 = arith.constant 0 : i32
        %cond3A_268 = arith.cmpi ne, %convert_element_type3A_266, %cond3A_267 : i32
        scf.if %cond3A_268 {
          %add3A_284 = arith.constant 4000 : i32
          %add3A_285 = arith.addi %add3A_232, %add3A_284 : i32
          %dma_start3A_286 = tpu.memref_slice %arg5[%add3A_285] : memref<19200000xi32, #tpu.memory_space<hbm>> -> memref<2000xi32, #tpu.memory_space<hbm>>
          %dma_start3A_287 = tpu.memref_slice %arg5[%add3A_285] : memref<19200000xi32, #tpu.memory_space<hbm>> -> memref<2000xi32, #tpu.memory_space<hbm>>
          tpu.enqueue_dma source(%dma_start3A_287 : memref<2000xi32, #tpu.memory_space<hbm>>) target(%arg12 : memref<2000xi32, #tpu.memory_space<vmem>>) target_semaphore(%arg27 : memref<!tpu.dma_semaphore, #tpu.memory_space<semaphore_mem>>)
          %add3A_288 = arith.constant 6400000 : i32
          %add3A_289 = arith.addi %add3A_288, %add3A_285 : i32
          %dma_start3A_290 = tpu.memref_slice %arg5[%add3A_289] : memref<19200000xi32, #tpu.memory_space<hbm>> -> memref<2000xi32, #tpu.memory_space<hbm>>
          %dma_start3A_291 = tpu.memref_slice %arg5[%add3A_289] : memref<19200000xi32, #tpu.memory_space<hbm>> -> memref<2000xi32, #tpu.memory_space<hbm>>
          tpu.enqueue_dma source(%dma_start3A_291 : memref<2000xi32, #tpu.memory_space<hbm>>) target(%arg13 : memref<2000xi32, #tpu.memory_space<vmem>>) target_semaphore(%arg27 : memref<!tpu.dma_semaphore, #tpu.memory_space<semaphore_mem>>)
          %add3A_292 = arith.constant 12800000 : i32
          %add3A_293 = arith.addi %add3A_292, %add3A_285 : i32
          %dma_start3A_294 = tpu.memref_slice %arg5[%add3A_293] : memref<19200000xi32, #tpu.memory_space<hbm>> -> memref<2000xi32, #tpu.memory_space<hbm>>
          %dma_start3A_295 = tpu.memref_slice %arg5[%add3A_293] : memref<19200000xi32, #tpu.memory_space<hbm>> -> memref<2000xi32, #tpu.memory_space<hbm>>
          tpu.enqueue_dma source(%dma_start3A_295 : memref<2000xi32, #tpu.memory_space<hbm>>) target(%arg14 : memref<2000xi32, #tpu.memory_space<vmem>>) target_semaphore(%arg27 : memref<!tpu.dma_semaphore, #tpu.memory_space<semaphore_mem>>)
        } else {
        }
        %dma_wait3A_269 = arith.constant 0 : i32
        %dma_wait3A_270 = tpu.memref_slice %arg5[%dma_wait3A_269] : memref<19200000xi32, #tpu.memory_space<hbm>> -> memref<2000xi32, #tpu.memory_space<hbm>>
        %dma_wait3A_271 = arith.constant 0 : i32
        %dma_wait3A_272 = tpu.memref_slice %arg5[%dma_wait3A_271] : memref<19200000xi32, #tpu.memory_space<hbm>> -> memref<2000xi32, #tpu.memory_space<hbm>>
        tpu.wait_dma2 semaphore(%arg28 : memref<!tpu.dma_semaphore, #tpu.memory_space<semaphore_mem>>) src(%dma_wait3A_272 : memref<2000xi32, #tpu.memory_space<hbm>>) dst(%arg15 : memref<2000xi32, #tpu.memory_space<vmem>>)
        %dma_wait3A_273 = arith.constant 0 : i32
        %dma_wait3A_274 = tpu.memref_slice %arg5[%dma_wait3A_273] : memref<19200000xi32, #tpu.memory_space<hbm>> -> memref<2000xi32, #tpu.memory_space<hbm>>
        %dma_wait3A_275 = arith.constant 0 : i32
        %dma_wait3A_276 = tpu.memref_slice %arg5[%dma_wait3A_275] : memref<19200000xi32, #tpu.memory_space<hbm>> -> memref<2000xi32, #tpu.memory_space<hbm>>
        tpu.wait_dma2 semaphore(%arg28 : memref<!tpu.dma_semaphore, #tpu.memory_space<semaphore_mem>>) src(%dma_wait3A_276 : memref<2000xi32, #tpu.memory_space<hbm>>) dst(%arg16 : memref<2000xi32, #tpu.memory_space<vmem>>)
        %dma_wait3A_277 = arith.constant 0 : i32
        %dma_wait3A_278 = tpu.memref_slice %arg5[%dma_wait3A_277] : memref<19200000xi32, #tpu.memory_space<hbm>> -> memref<2000xi32, #tpu.memory_space<hbm>>
        %dma_wait3A_279 = arith.constant 0 : i32
        %dma_wait3A_280 = tpu.memref_slice %arg5[%dma_wait3A_279] : memref<19200000xi32, #tpu.memory_space<hbm>> -> memref<2000xi32, #tpu.memory_space<hbm>>
        tpu.wait_dma2 semaphore(%arg28 : memref<!tpu.dma_semaphore, #tpu.memory_space<semaphore_mem>>) src(%dma_wait3A_280 : memref<2000xi32, #tpu.memory_space<hbm>>) dst(%arg17 : memref<2000xi32, #tpu.memory_space<vmem>>)
        %parallel_loop3A_281 = arith.constant 0 : i32
        %parallel_loop3A_282 = arith.constant 125 : i32
        %parallel_loop3A_283 = arith.constant 1 : i32
        scf.for %parallel_loop3A_284 = %parallel_loop3A_281 to %parallel_loop3A_282 step %parallel_loop3A_283  : i32 {
          %parallel_loop3A_285 = arith.constant 16 : i32
          %parallel_loop3A_286 = arith.muli %parallel_loop3A_284, %parallel_loop3A_285 : i32
          %parallel_loop3A_287 = arith.index_cast %parallel_loop3A_286 : i32 to index
          %parallel_loop3A_288 = tpu.vector_load %arg16[%parallel_loop3A_287] {strides = array<i32>} : memref<2000xi32, #tpu.memory_space<vmem>>, vector<16xi32>,
          %parallel_loop3A_289 = arith.constant 16 : i32
          %parallel_loop3A_290 = arith.muli %parallel_loop3A_284, %parallel_loop3A_289 : i32
          %parallel_loop3A_291 = arith.index_cast %parallel_loop3A_290 : i32 to index
          %parallel_loop3A_292 = tpu.vector_load %arg17[%parallel_loop3A_291] {strides = array<i32>} : memref<2000xi32, #tpu.memory_space<vmem>>, vector<16xi32>,
          %parallel_loop3A_293 = tpu.vector_load_idx %arg11[%parallel_loop3A_288] : memref<100000xf32, #tpu.memory_space<vmem>>[vector<16xi32>], vector<16xf32>,
          %parallel_loop3A_294 = tpu.vector_load_idx %arg11[%parallel_loop3A_292] : memref<100000xf32, #tpu.memory_space<vmem>>[vector<16xi32>], vector<16xf32>,
          %parallel_loop3A_295 = arith.mulf %parallel_loop3A_293, %parallel_loop3A_294 : vector<16xf32>
          %parallel_loop3A_296 = arith.mulf %parallel_loop3A_295, %get3A_39 : vector<16xf32>
          %parallel_loop3A_297 = arith.constant 16 : i32
          %parallel_loop3A_298 = arith.muli %parallel_loop3A_284, %parallel_loop3A_297 : i32
          %parallel_loop3A_299 = arith.index_cast %parallel_loop3A_298 : i32 to index
          %parallel_loop3A_300 = tpu.vector_load %arg19[%parallel_loop3A_299] {strides = array<i32>} : memref<2000xf32, #tpu.memory_space<vmem>>, vector<16xf32>,
          tpu.vector_store %arg19[%parallel_loop3A_299], %parallel_loop3A_296 {strides = array<i32>} : memref<2000xf32, #tpu.memory_space<vmem>>, vector<16xf32>,
        } {sc.loop_unroll_factor = 4 : i64, sc.parallel_access}
        "tpu.region"() ({
          %run_scoped3A = tpu.sem_alloc : memref<!tpu.dma_semaphore, #tpu.memory_space<semaphore_mem>>
          %dma_start3A_284 = arith.constant 0 : i32
          %dma_start3A_285 = tpu.memref_slice %arg26[%dma_start3A_284] : memref<102400xf32, #tpu.memory_space<vmem_shared>> -> memref<102400xf32, #tpu.memory_space<vmem_shared>>
          tpu.enqueue_indirect_dma source(%arg19 : memref<2000xf32, #tpu.memory_space<vmem>>) target(%dma_start3A_285 : memref<102400xf32, #tpu.memory_space<vmem_shared>>) offsets(%arg15 : memref<2000xi32, #tpu.memory_space<vmem>>) semaphore(%run_scoped3A : memref<!tpu.dma_semaphore, #tpu.memory_space<semaphore_mem>>) {add = true}
          %dma_wait3A_286 = arith.constant 0 : i32
          %dma_wait3A_287 = tpu.memref_slice %arg26[%dma_wait3A_286] : memref<102400xf32, #tpu.memory_space<vmem_shared>> -> memref<102400xf32, #tpu.memory_space<vmem_shared>>
          tpu.wait_indirect_dma semaphore(%run_scoped3A : memref<!tpu.dma_semaphore, #tpu.memory_space<semaphore_mem>>) src(%arg19 : memref<2000xf32, #tpu.memory_space<vmem>>) dst(%dma_wait3A_287 : memref<102400xf32, #tpu.memory_space<vmem_shared>>)
          tpu.yield
        }) : () -> ()
      }
      %scan3A_67 = arith.constant 50 : i32
      %mul3A_68 = arith.constant 50000 : i32
      %mul3A_69 = arith.muli %add3A, %mul3A_68 : i32
      %dma_start3A_70 = tpu.memref_slice %arg6[%mul3A_69] : memref<4800000xi32, #tpu.memory_space<hbm>> -> memref<2000xi32, #tpu.memory_space<hbm>>
      %dma_start3A_71 = tpu.memref_slice %arg6[%mul3A_69] : memref<4800000xi32, #tpu.memory_space<hbm>> -> memref<2000xi32, #tpu.memory_space<hbm>>
      tpu.enqueue_dma source(%dma_start3A_71 : memref<2000xi32, #tpu.memory_space<hbm>>) target(%arg12 : memref<2000xi32, #tpu.memory_space<vmem>>) target_semaphore(%arg27 : memref<!tpu.dma_semaphore, #tpu.memory_space<semaphore_mem>>)
      %add3A_72 = arith.constant 1600000 : i32
      %add3A_73 = arith.addi %add3A_72, %mul3A_69 : i32
      %dma_start3A_74 = tpu.memref_slice %arg6[%add3A_73] : memref<4800000xi32, #tpu.memory_space<hbm>> -> memref<2000xi32, #tpu.memory_space<hbm>>
      %dma_start3A_75 = tpu.memref_slice %arg6[%add3A_73] : memref<4800000xi32, #tpu.memory_space<hbm>> -> memref<2000xi32, #tpu.memory_space<hbm>>
      tpu.enqueue_dma source(%dma_start3A_75 : memref<2000xi32, #tpu.memory_space<hbm>>) target(%arg13 : memref<2000xi32, #tpu.memory_space<vmem>>) target_semaphore(%arg27 : memref<!tpu.dma_semaphore, #tpu.memory_space<semaphore_mem>>)
      %add3A_76 = arith.constant 3200000 : i32
      %add3A_77 = arith.addi %add3A_76, %mul3A_69 : i32
      %dma_start3A_78 = tpu.memref_slice %arg6[%add3A_77] : memref<4800000xi32, #tpu.memory_space<hbm>> -> memref<2000xi32, #tpu.memory_space<hbm>>
      %dma_start3A_79 = tpu.memref_slice %arg6[%add3A_77] : memref<4800000xi32, #tpu.memory_space<hbm>> -> memref<2000xi32, #tpu.memory_space<hbm>>
      tpu.enqueue_dma source(%dma_start3A_79 : memref<2000xi32, #tpu.memory_space<hbm>>) target(%arg14 : memref<2000xi32, #tpu.memory_space<vmem>>) target_semaphore(%arg27 : memref<!tpu.dma_semaphore, #tpu.memory_space<semaphore_mem>>)
      %scan3A_80 = arith.constant 0 : i32
      %scan3A_81 = arith.constant 12 : i32
      %scan3A_82 = arith.addi %scan3A_80, %scan3A_81 : i32
      %scan3A_83 = arith.constant 1 : i32
      scf.for %scan3A_223 = %scan3A_80 to %scan3A_82 step %scan3A_83  : i32 {
        %mul3A_224 = arith.constant 1 : i32
        %mul3A_225 = arith.muli %scan3A_223, %mul3A_224 : i32
        %add3A_226 = arith.constant 0 : i32
        %add3A_227 = arith.addi %add3A_226, %mul3A_225 : i32
        %mul3A_228 = arith.constant 2 : i32
        %mul3A_229 = arith.muli %mul3A_228, %add3A_227 : i32
        %mul3A_230 = arith.constant 2000 : i32
        %mul3A_231 = arith.muli %mul3A_229, %mul3A_230 : i32
        %add3A_232 = arith.addi %mul3A_69, %mul3A_231 : i32
        %add3A_233 = arith.constant 2000 : i32
        %add3A_234 = arith.addi %add3A_232, %add3A_233 : i32
        %dma_start3A_235 = tpu.memref_slice %arg6[%add3A_234] : memref<4800000xi32, #tpu.memory_space<hbm>> -> memref<2000xi32, #tpu.memory_space<hbm>>
        %dma_start3A_236 = tpu.memref_slice %arg6[%add3A_234] : memref<4800000xi32, #tpu.memory_space<hbm>> -> memref<2000xi32, #tpu.memory_space<hbm>>
        tpu.enqueue_dma source(%dma_start3A_236 : memref<2000xi32, #tpu.memory_space<hbm>>) target(%arg15 : memref<2000xi32, #tpu.memory_space<vmem>>) target_semaphore(%arg28 : memref<!tpu.dma_semaphore, #tpu.memory_space<semaphore_mem>>)
        %add3A_237 = arith.constant 1600000 : i32
        %add3A_238 = arith.addi %add3A_237, %add3A_234 : i32
        %dma_start3A_239 = tpu.memref_slice %arg6[%add3A_238] : memref<4800000xi32, #tpu.memory_space<hbm>> -> memref<2000xi32, #tpu.memory_space<hbm>>
        %dma_start3A_240 = tpu.memref_slice %arg6[%add3A_238] : memref<4800000xi32, #tpu.memory_space<hbm>> -> memref<2000xi32, #tpu.memory_space<hbm>>
        tpu.enqueue_dma source(%dma_start3A_240 : memref<2000xi32, #tpu.memory_space<hbm>>) target(%arg16 : memref<2000xi32, #tpu.memory_space<vmem>>) target_semaphore(%arg28 : memref<!tpu.dma_semaphore, #tpu.memory_space<semaphore_mem>>)
        %add3A_241 = arith.constant 3200000 : i32
        %add3A_242 = arith.addi %add3A_241, %add3A_234 : i32
        %dma_start3A_243 = tpu.memref_slice %arg6[%add3A_242] : memref<4800000xi32, #tpu.memory_space<hbm>> -> memref<2000xi32, #tpu.memory_space<hbm>>
        %dma_start3A_244 = tpu.memref_slice %arg6[%add3A_242] : memref<4800000xi32, #tpu.memory_space<hbm>> -> memref<2000xi32, #tpu.memory_space<hbm>>
        tpu.enqueue_dma source(%dma_start3A_244 : memref<2000xi32, #tpu.memory_space<hbm>>) target(%arg17 : memref<2000xi32, #tpu.memory_space<vmem>>) target_semaphore(%arg28 : memref<!tpu.dma_semaphore, #tpu.memory_space<semaphore_mem>>)
        %dma_wait3A_245 = arith.constant 0 : i32
        %dma_wait3A_246 = tpu.memref_slice %arg6[%dma_wait3A_245] : memref<4800000xi32, #tpu.memory_space<hbm>> -> memref<2000xi32, #tpu.memory_space<hbm>>
        %dma_wait3A_247 = arith.constant 0 : i32
        %dma_wait3A_248 = tpu.memref_slice %arg6[%dma_wait3A_247] : memref<4800000xi32, #tpu.memory_space<hbm>> -> memref<2000xi32, #tpu.memory_space<hbm>>
        tpu.wait_dma2 semaphore(%arg27 : memref<!tpu.dma_semaphore, #tpu.memory_space<semaphore_mem>>) src(%dma_wait3A_248 : memref<2000xi32, #tpu.memory_space<hbm>>) dst(%arg12 : memref<2000xi32, #tpu.memory_space<vmem>>)
        %dma_wait3A_249 = arith.constant 0 : i32
        %dma_wait3A_250 = tpu.memref_slice %arg6[%dma_wait3A_249] : memref<4800000xi32, #tpu.memory_space<hbm>> -> memref<2000xi32, #tpu.memory_space<hbm>>
        %dma_wait3A_251 = arith.constant 0 : i32
        %dma_wait3A_252 = tpu.memref_slice %arg6[%dma_wait3A_251] : memref<4800000xi32, #tpu.memory_space<hbm>> -> memref<2000xi32, #tpu.memory_space<hbm>>
        tpu.wait_dma2 semaphore(%arg27 : memref<!tpu.dma_semaphore, #tpu.memory_space<semaphore_mem>>) src(%dma_wait3A_252 : memref<2000xi32, #tpu.memory_space<hbm>>) dst(%arg13 : memref<2000xi32, #tpu.memory_space<vmem>>)
        %dma_wait3A_253 = arith.constant 0 : i32
        %dma_wait3A_254 = tpu.memref_slice %arg6[%dma_wait3A_253] : memref<4800000xi32, #tpu.memory_space<hbm>> -> memref<2000xi32, #tpu.memory_space<hbm>>
        %dma_wait3A_255 = arith.constant 0 : i32
        %dma_wait3A_256 = tpu.memref_slice %arg6[%dma_wait3A_255] : memref<4800000xi32, #tpu.memory_space<hbm>> -> memref<2000xi32, #tpu.memory_space<hbm>>
        tpu.wait_dma2 semaphore(%arg27 : memref<!tpu.dma_semaphore, #tpu.memory_space<semaphore_mem>>) src(%dma_wait3A_256 : memref<2000xi32, #tpu.memory_space<hbm>>) dst(%arg14 : memref<2000xi32, #tpu.memory_space<vmem>>)
        %parallel_loop3A_257 = arith.constant 0 : i32
        %parallel_loop3A_258 = arith.constant 125 : i32
        %parallel_loop3A_259 = arith.constant 1 : i32
        scf.for %parallel_loop3A_284 = %parallel_loop3A_257 to %parallel_loop3A_258 step %parallel_loop3A_259  : i32 {
          %parallel_loop3A_285 = arith.constant 16 : i32
          %parallel_loop3A_286 = arith.muli %parallel_loop3A_284, %parallel_loop3A_285 : i32
          %parallel_loop3A_287 = arith.index_cast %parallel_loop3A_286 : i32 to index
          %parallel_loop3A_288 = tpu.vector_load %arg13[%parallel_loop3A_287] {strides = array<i32>} : memref<2000xi32, #tpu.memory_space<vmem>>, vector<16xi32>,
          %parallel_loop3A_289 = arith.constant 16 : i32
          %parallel_loop3A_290 = arith.muli %parallel_loop3A_284, %parallel_loop3A_289 : i32
          %parallel_loop3A_291 = arith.index_cast %parallel_loop3A_290 : i32 to index
          %parallel_loop3A_292 = tpu.vector_load %arg14[%parallel_loop3A_291] {strides = array<i32>} : memref<2000xi32, #tpu.memory_space<vmem>>, vector<16xi32>,
          %parallel_loop3A_293 = tpu.vector_load_idx %arg11[%parallel_loop3A_288] : memref<100000xf32, #tpu.memory_space<vmem>>[vector<16xi32>], vector<16xf32>,
          %parallel_loop3A_294 = tpu.vector_load_idx %arg11[%parallel_loop3A_292] : memref<100000xf32, #tpu.memory_space<vmem>>[vector<16xi32>], vector<16xf32>,
          %parallel_loop3A_295 = arith.mulf %parallel_loop3A_293, %parallel_loop3A_294 : vector<16xf32>
          %parallel_loop3A_296 = arith.mulf %parallel_loop3A_295, %get3A_41 : vector<16xf32>
          %parallel_loop3A_297 = arith.constant 16 : i32
          %parallel_loop3A_298 = arith.muli %parallel_loop3A_284, %parallel_loop3A_297 : i32
          %parallel_loop3A_299 = arith.index_cast %parallel_loop3A_298 : i32 to index
          %parallel_loop3A_300 = tpu.vector_load %arg18[%parallel_loop3A_299] {strides = array<i32>} : memref<2000xf32, #tpu.memory_space<vmem>>, vector<16xf32>,
          tpu.vector_store %arg18[%parallel_loop3A_299], %parallel_loop3A_296 {strides = array<i32>} : memref<2000xf32, #tpu.memory_space<vmem>>, vector<16xf32>,
        } {sc.loop_unroll_factor = 4 : i64, sc.parallel_access}
        "tpu.region"() ({
          %run_scoped3A = tpu.sem_alloc : memref<!tpu.dma_semaphore, #tpu.memory_space<semaphore_mem>>
          %dma_start3A_284 = arith.constant 0 : i32
          %dma_start3A_285 = tpu.memref_slice %arg26[%dma_start3A_284] : memref<102400xf32, #tpu.memory_space<vmem_shared>> -> memref<102400xf32, #tpu.memory_space<vmem_shared>>
          tpu.enqueue_indirect_dma source(%arg18 : memref<2000xf32, #tpu.memory_space<vmem>>) target(%dma_start3A_285 : memref<102400xf32, #tpu.memory_space<vmem_shared>>) offsets(%arg12 : memref<2000xi32, #tpu.memory_space<vmem>>) semaphore(%run_scoped3A : memref<!tpu.dma_semaphore, #tpu.memory_space<semaphore_mem>>) {add = true}
          %dma_wait3A_286 = arith.constant 0 : i32
          %dma_wait3A_287 = tpu.memref_slice %arg26[%dma_wait3A_286] : memref<102400xf32, #tpu.memory_space<vmem_shared>> -> memref<102400xf32, #tpu.memory_space<vmem_shared>>
          tpu.wait_indirect_dma semaphore(%run_scoped3A : memref<!tpu.dma_semaphore, #tpu.memory_space<semaphore_mem>>) src(%arg18 : memref<2000xf32, #tpu.memory_space<vmem>>) dst(%dma_wait3A_287 : memref<102400xf32, #tpu.memory_space<vmem_shared>>)
          tpu.yield
        }) : () -> ()
        %mul3A_260 = arith.constant 2 : i32
        %mul3A_261 = arith.muli %mul3A_260, %add3A_227 : i32
        %add3A_262 = arith.constant 2 : i32
        %add3A_263 = arith.addi %mul3A_261, %add3A_262 : i32
        %lt3A_264 = arith.constant 25 : i32
        %lt3A_265 = arith.cmpi slt, %add3A_263, %lt3A_264 : i32
        %convert_element_type3A_266 = arith.extui %lt3A_265 : i1 to i32
        %cond3A_267 = arith.constant 0 : i32
        %cond3A_268 = arith.cmpi ne, %convert_element_type3A_266, %cond3A_267 : i32
        scf.if %cond3A_268 {
          %add3A_284 = arith.constant 4000 : i32
          %add3A_285 = arith.addi %add3A_232, %add3A_284 : i32
          %dma_start3A_286 = tpu.memref_slice %arg6[%add3A_285] : memref<4800000xi32, #tpu.memory_space<hbm>> -> memref<2000xi32, #tpu.memory_space<hbm>>
          %dma_start3A_287 = tpu.memref_slice %arg6[%add3A_285] : memref<4800000xi32, #tpu.memory_space<hbm>> -> memref<2000xi32, #tpu.memory_space<hbm>>
          tpu.enqueue_dma source(%dma_start3A_287 : memref<2000xi32, #tpu.memory_space<hbm>>) target(%arg12 : memref<2000xi32, #tpu.memory_space<vmem>>) target_semaphore(%arg27 : memref<!tpu.dma_semaphore, #tpu.memory_space<semaphore_mem>>)
          %add3A_288 = arith.constant 1600000 : i32
          %add3A_289 = arith.addi %add3A_288, %add3A_285 : i32
          %dma_start3A_290 = tpu.memref_slice %arg6[%add3A_289] : memref<4800000xi32, #tpu.memory_space<hbm>> -> memref<2000xi32, #tpu.memory_space<hbm>>
          %dma_start3A_291 = tpu.memref_slice %arg6[%add3A_289] : memref<4800000xi32, #tpu.memory_space<hbm>> -> memref<2000xi32, #tpu.memory_space<hbm>>
          tpu.enqueue_dma source(%dma_start3A_291 : memref<2000xi32, #tpu.memory_space<hbm>>) target(%arg13 : memref<2000xi32, #tpu.memory_space<vmem>>) target_semaphore(%arg27 : memref<!tpu.dma_semaphore, #tpu.memory_space<semaphore_mem>>)
          %add3A_292 = arith.constant 3200000 : i32
          %add3A_293 = arith.addi %add3A_292, %add3A_285 : i32
          %dma_start3A_294 = tpu.memref_slice %arg6[%add3A_293] : memref<4800000xi32, #tpu.memory_space<hbm>> -> memref<2000xi32, #tpu.memory_space<hbm>>
          %dma_start3A_295 = tpu.memref_slice %arg6[%add3A_293] : memref<4800000xi32, #tpu.memory_space<hbm>> -> memref<2000xi32, #tpu.memory_space<hbm>>
          tpu.enqueue_dma source(%dma_start3A_295 : memref<2000xi32, #tpu.memory_space<hbm>>) target(%arg14 : memref<2000xi32, #tpu.memory_space<vmem>>) target_semaphore(%arg27 : memref<!tpu.dma_semaphore, #tpu.memory_space<semaphore_mem>>)
        } else {
        }
        %dma_wait3A_269 = arith.constant 0 : i32
        %dma_wait3A_270 = tpu.memref_slice %arg6[%dma_wait3A_269] : memref<4800000xi32, #tpu.memory_space<hbm>> -> memref<2000xi32, #tpu.memory_space<hbm>>
        %dma_wait3A_271 = arith.constant 0 : i32
        %dma_wait3A_272 = tpu.memref_slice %arg6[%dma_wait3A_271] : memref<4800000xi32, #tpu.memory_space<hbm>> -> memref<2000xi32, #tpu.memory_space<hbm>>
        tpu.wait_dma2 semaphore(%arg28 : memref<!tpu.dma_semaphore, #tpu.memory_space<semaphore_mem>>) src(%dma_wait3A_272 : memref<2000xi32, #tpu.memory_space<hbm>>) dst(%arg15 : memref<2000xi32, #tpu.memory_space<vmem>>)
        %dma_wait3A_273 = arith.constant 0 : i32
        %dma_wait3A_274 = tpu.memref_slice %arg6[%dma_wait3A_273] : memref<4800000xi32, #tpu.memory_space<hbm>> -> memref<2000xi32, #tpu.memory_space<hbm>>
        %dma_wait3A_275 = arith.constant 0 : i32
        %dma_wait3A_276 = tpu.memref_slice %arg6[%dma_wait3A_275] : memref<4800000xi32, #tpu.memory_space<hbm>> -> memref<2000xi32, #tpu.memory_space<hbm>>
        tpu.wait_dma2 semaphore(%arg28 : memref<!tpu.dma_semaphore, #tpu.memory_space<semaphore_mem>>) src(%dma_wait3A_276 : memref<2000xi32, #tpu.memory_space<hbm>>) dst(%arg16 : memref<2000xi32, #tpu.memory_space<vmem>>)
        %dma_wait3A_277 = arith.constant 0 : i32
        %dma_wait3A_278 = tpu.memref_slice %arg6[%dma_wait3A_277] : memref<4800000xi32, #tpu.memory_space<hbm>> -> memref<2000xi32, #tpu.memory_space<hbm>>
        %dma_wait3A_279 = arith.constant 0 : i32
        %dma_wait3A_280 = tpu.memref_slice %arg6[%dma_wait3A_279] : memref<4800000xi32, #tpu.memory_space<hbm>> -> memref<2000xi32, #tpu.memory_space<hbm>>
        tpu.wait_dma2 semaphore(%arg28 : memref<!tpu.dma_semaphore, #tpu.memory_space<semaphore_mem>>) src(%dma_wait3A_280 : memref<2000xi32, #tpu.memory_space<hbm>>) dst(%arg17 : memref<2000xi32, #tpu.memory_space<vmem>>)
        %parallel_loop3A_281 = arith.constant 0 : i32
        %parallel_loop3A_282 = arith.constant 125 : i32
        %parallel_loop3A_283 = arith.constant 1 : i32
        scf.for %parallel_loop3A_284 = %parallel_loop3A_281 to %parallel_loop3A_282 step %parallel_loop3A_283  : i32 {
          %parallel_loop3A_285 = arith.constant 16 : i32
          %parallel_loop3A_286 = arith.muli %parallel_loop3A_284, %parallel_loop3A_285 : i32
          %parallel_loop3A_287 = arith.index_cast %parallel_loop3A_286 : i32 to index
          %parallel_loop3A_288 = tpu.vector_load %arg16[%parallel_loop3A_287] {strides = array<i32>} : memref<2000xi32, #tpu.memory_space<vmem>>, vector<16xi32>,
          %parallel_loop3A_289 = arith.constant 16 : i32
          %parallel_loop3A_290 = arith.muli %parallel_loop3A_284, %parallel_loop3A_289 : i32
          %parallel_loop3A_291 = arith.index_cast %parallel_loop3A_290 : i32 to index
          %parallel_loop3A_292 = tpu.vector_load %arg17[%parallel_loop3A_291] {strides = array<i32>} : memref<2000xi32, #tpu.memory_space<vmem>>, vector<16xi32>,
          %parallel_loop3A_293 = tpu.vector_load_idx %arg11[%parallel_loop3A_288] : memref<100000xf32, #tpu.memory_space<vmem>>[vector<16xi32>], vector<16xf32>,
          %parallel_loop3A_294 = tpu.vector_load_idx %arg11[%parallel_loop3A_292] : memref<100000xf32, #tpu.memory_space<vmem>>[vector<16xi32>], vector<16xf32>,
          %parallel_loop3A_295 = arith.mulf %parallel_loop3A_293, %parallel_loop3A_294 : vector<16xf32>
          %parallel_loop3A_296 = arith.mulf %parallel_loop3A_295, %get3A_41 : vector<16xf32>
          %parallel_loop3A_297 = arith.constant 16 : i32
          %parallel_loop3A_298 = arith.muli %parallel_loop3A_284, %parallel_loop3A_297 : i32
          %parallel_loop3A_299 = arith.index_cast %parallel_loop3A_298 : i32 to index
          %parallel_loop3A_300 = tpu.vector_load %arg19[%parallel_loop3A_299] {strides = array<i32>} : memref<2000xf32, #tpu.memory_space<vmem>>, vector<16xf32>,
          tpu.vector_store %arg19[%parallel_loop3A_299], %parallel_loop3A_296 {strides = array<i32>} : memref<2000xf32, #tpu.memory_space<vmem>>, vector<16xf32>,
        } {sc.loop_unroll_factor = 4 : i64, sc.parallel_access}
        "tpu.region"() ({
          %run_scoped3A = tpu.sem_alloc : memref<!tpu.dma_semaphore, #tpu.memory_space<semaphore_mem>>
          %dma_start3A_284 = arith.constant 0 : i32
          %dma_start3A_285 = tpu.memref_slice %arg26[%dma_start3A_284] : memref<102400xf32, #tpu.memory_space<vmem_shared>> -> memref<102400xf32, #tpu.memory_space<vmem_shared>>
          tpu.enqueue_indirect_dma source(%arg19 : memref<2000xf32, #tpu.memory_space<vmem>>) target(%dma_start3A_285 : memref<102400xf32, #tpu.memory_space<vmem_shared>>) offsets(%arg15 : memref<2000xi32, #tpu.memory_space<vmem>>) semaphore(%run_scoped3A : memref<!tpu.dma_semaphore, #tpu.memory_space<semaphore_mem>>) {add = true}
          %dma_wait3A_286 = arith.constant 0 : i32
          %dma_wait3A_287 = tpu.memref_slice %arg26[%dma_wait3A_286] : memref<102400xf32, #tpu.memory_space<vmem_shared>> -> memref<102400xf32, #tpu.memory_space<vmem_shared>>
          tpu.wait_indirect_dma semaphore(%run_scoped3A : memref<!tpu.dma_semaphore, #tpu.memory_space<semaphore_mem>>) src(%arg19 : memref<2000xf32, #tpu.memory_space<vmem>>) dst(%dma_wait3A_287 : memref<102400xf32, #tpu.memory_space<vmem_shared>>)
          tpu.yield
        }) : () -> ()
      }
      %scan3A_84 = arith.constant 12 : i32
      %dma_wait3A = arith.constant 0 : i32
      %dma_wait3A_85 = tpu.memref_slice %arg6[%dma_wait3A] : memref<4800000xi32, #tpu.memory_space<hbm>> -> memref<2000xi32, #tpu.memory_space<hbm>>
      %dma_wait3A_86 = arith.constant 0 : i32
      %dma_wait3A_87 = tpu.memref_slice %arg6[%dma_wait3A_86] : memref<4800000xi32, #tpu.memory_space<hbm>> -> memref<2000xi32, #tpu.memory_space<hbm>>
      tpu.wait_dma2 semaphore(%arg27 : memref<!tpu.dma_semaphore, #tpu.memory_space<semaphore_mem>>) src(%dma_wait3A_87 : memref<2000xi32, #tpu.memory_space<hbm>>) dst(%arg12 : memref<2000xi32, #tpu.memory_space<vmem>>)
      %dma_wait3A_88 = arith.constant 0 : i32
      %dma_wait3A_89 = tpu.memref_slice %arg6[%dma_wait3A_88] : memref<4800000xi32, #tpu.memory_space<hbm>> -> memref<2000xi32, #tpu.memory_space<hbm>>
      %dma_wait3A_90 = arith.constant 0 : i32
      %dma_wait3A_91 = tpu.memref_slice %arg6[%dma_wait3A_90] : memref<4800000xi32, #tpu.memory_space<hbm>> -> memref<2000xi32, #tpu.memory_space<hbm>>
      tpu.wait_dma2 semaphore(%arg27 : memref<!tpu.dma_semaphore, #tpu.memory_space<semaphore_mem>>) src(%dma_wait3A_91 : memref<2000xi32, #tpu.memory_space<hbm>>) dst(%arg13 : memref<2000xi32, #tpu.memory_space<vmem>>)
      %dma_wait3A_92 = arith.constant 0 : i32
      %dma_wait3A_93 = tpu.memref_slice %arg6[%dma_wait3A_92] : memref<4800000xi32, #tpu.memory_space<hbm>> -> memref<2000xi32, #tpu.memory_space<hbm>>
      %dma_wait3A_94 = arith.constant 0 : i32
      %dma_wait3A_95 = tpu.memref_slice %arg6[%dma_wait3A_94] : memref<4800000xi32, #tpu.memory_space<hbm>> -> memref<2000xi32, #tpu.memory_space<hbm>>
      tpu.wait_dma2 semaphore(%arg27 : memref<!tpu.dma_semaphore, #tpu.memory_space<semaphore_mem>>) src(%dma_wait3A_95 : memref<2000xi32, #tpu.memory_space<hbm>>) dst(%arg14 : memref<2000xi32, #tpu.memory_space<vmem>>)
      %parallel_loop3A = arith.constant 0 : i32
      %parallel_loop3A_96 = arith.constant 125 : i32
      %parallel_loop3A_97 = arith.constant 1 : i32
      scf.for %parallel_loop3A_223 = %parallel_loop3A to %parallel_loop3A_96 step %parallel_loop3A_97  : i32 {
        %parallel_loop3A_224 = arith.constant 16 : i32
        %parallel_loop3A_225 = arith.muli %parallel_loop3A_223, %parallel_loop3A_224 : i32
        %parallel_loop3A_226 = arith.index_cast %parallel_loop3A_225 : i32 to index
        %parallel_loop3A_227 = tpu.vector_load %arg13[%parallel_loop3A_226] {strides = array<i32>} : memref<2000xi32, #tpu.memory_space<vmem>>, vector<16xi32>,
        %parallel_loop3A_228 = arith.constant 16 : i32
        %parallel_loop3A_229 = arith.muli %parallel_loop3A_223, %parallel_loop3A_228 : i32
        %parallel_loop3A_230 = arith.index_cast %parallel_loop3A_229 : i32 to index
        %parallel_loop3A_231 = tpu.vector_load %arg14[%parallel_loop3A_230] {strides = array<i32>} : memref<2000xi32, #tpu.memory_space<vmem>>, vector<16xi32>,
        %parallel_loop3A_232 = tpu.vector_load_idx %arg11[%parallel_loop3A_227] : memref<100000xf32, #tpu.memory_space<vmem>>[vector<16xi32>], vector<16xf32>,
        %parallel_loop3A_233 = tpu.vector_load_idx %arg11[%parallel_loop3A_231] : memref<100000xf32, #tpu.memory_space<vmem>>[vector<16xi32>], vector<16xf32>,
        %parallel_loop3A_234 = arith.mulf %parallel_loop3A_232, %parallel_loop3A_233 : vector<16xf32>
        %parallel_loop3A_235 = arith.mulf %parallel_loop3A_234, %get3A_41 : vector<16xf32>
        %parallel_loop3A_236 = arith.constant 16 : i32
        %parallel_loop3A_237 = arith.muli %parallel_loop3A_223, %parallel_loop3A_236 : i32
        %parallel_loop3A_238 = arith.index_cast %parallel_loop3A_237 : i32 to index
        %parallel_loop3A_239 = tpu.vector_load %arg18[%parallel_loop3A_238] {strides = array<i32>} : memref<2000xf32, #tpu.memory_space<vmem>>, vector<16xf32>,
        tpu.vector_store %arg18[%parallel_loop3A_238], %parallel_loop3A_235 {strides = array<i32>} : memref<2000xf32, #tpu.memory_space<vmem>>, vector<16xf32>,
      } {sc.loop_unroll_factor = 4 : i64, sc.parallel_access}
      "tpu.region"() ({
        %run_scoped3A = tpu.sem_alloc : memref<!tpu.dma_semaphore, #tpu.memory_space<semaphore_mem>>
        %dma_start3A_223 = arith.constant 0 : i32
        %dma_start3A_224 = tpu.memref_slice %arg26[%dma_start3A_223] : memref<102400xf32, #tpu.memory_space<vmem_shared>> -> memref<102400xf32, #tpu.memory_space<vmem_shared>>
        tpu.enqueue_indirect_dma source(%arg18 : memref<2000xf32, #tpu.memory_space<vmem>>) target(%dma_start3A_224 : memref<102400xf32, #tpu.memory_space<vmem_shared>>) offsets(%arg12 : memref<2000xi32, #tpu.memory_space<vmem>>) semaphore(%run_scoped3A : memref<!tpu.dma_semaphore, #tpu.memory_space<semaphore_mem>>) {add = true}
        %dma_wait3A_225 = arith.constant 0 : i32
        %dma_wait3A_226 = tpu.memref_slice %arg26[%dma_wait3A_225] : memref<102400xf32, #tpu.memory_space<vmem_shared>> -> memref<102400xf32, #tpu.memory_space<vmem_shared>>
        tpu.wait_indirect_dma semaphore(%run_scoped3A : memref<!tpu.dma_semaphore, #tpu.memory_space<semaphore_mem>>) src(%arg18 : memref<2000xf32, #tpu.memory_space<vmem>>) dst(%dma_wait3A_226 : memref<102400xf32, #tpu.memory_space<vmem_shared>>)
        tpu.yield
      }) : () -> ()
      %barrier3A_98 = arith.constant 0 : index
      tpu.barrier barrier_id(%barrier3A_98)
      %mul3A_99 = arith.constant 6400 : i32
      %mul3A_100 = arith.muli %arg1, %mul3A_99 : i32
      %mul3A_101 = arith.constant 102400 : i32
      %mul3A_102 = arith.muli %arg0, %mul3A_101 : i32
      %mul3A_103 = arith.constant 6400 : i32
      %mul3A_104 = arith.muli %arg1, %mul3A_103 : i32
      %add3A_105 = arith.addi %mul3A_102, %mul3A_104 : i32
      "tpu.region"() ({
        %run_scoped3A = tpu.sem_alloc : memref<!tpu.dma_semaphore, #tpu.memory_space<semaphore_mem>>
        %dma_start3A_223 = tpu.memref_slice %arg8[%add3A_105] : memref<204800xf32, #tpu.memory_space<hbm>> -> memref<6400xf32, #tpu.memory_space<hbm>>
        %dma_start3A_224 = tpu.memref_slice %arg26[%mul3A_100] : memref<102400xf32, #tpu.memory_space<vmem_shared>> -> memref<6400xf32, #tpu.memory_space<vmem_shared>>
        tpu.enqueue_dma source(%dma_start3A_224 : memref<6400xf32, #tpu.memory_space<vmem_shared>>) target(%dma_start3A_223 : memref<6400xf32, #tpu.memory_space<hbm>>) target_semaphore(%run_scoped3A : memref<!tpu.dma_semaphore, #tpu.memory_space<semaphore_mem>>)
        %dma_wait3A_225 = tpu.memref_slice %arg8[%add3A_105] : memref<204800xf32, #tpu.memory_space<hbm>> -> memref<6400xf32, #tpu.memory_space<hbm>>
        %dma_wait3A_226 = tpu.memref_slice %arg26[%mul3A_100] : memref<102400xf32, #tpu.memory_space<vmem_shared>> -> memref<6400xf32, #tpu.memory_space<vmem_shared>>
        tpu.wait_dma2 semaphore(%run_scoped3A : memref<!tpu.dma_semaphore, #tpu.memory_space<semaphore_mem>>) src(%dma_wait3A_226 : memref<6400xf32, #tpu.memory_space<vmem_shared>>) dst(%dma_wait3A_225 : memref<6400xf32, #tpu.memory_space<hbm>>)
        tpu.yield
      }) : () -> ()
      %scan3A_106 = arith.constant 0 : i32
      %scan3A_107 = arith.constant 50 : i32
      %scan3A_108 = arith.addi %scan3A_106, %scan3A_107 : i32
      %scan3A_109 = arith.constant 1 : i32
      scf.for %scan3A_223 = %scan3A_106 to %scan3A_108 step %scan3A_109  : i32 {
        %mul3A_224 = arith.constant 1 : i32
        %mul3A_225 = arith.muli %scan3A_223, %mul3A_224 : i32
        %add3A_226 = arith.constant 0 : i32
        %add3A_227 = arith.addi %add3A_226, %mul3A_225 : i32
        %broadcast_in_dim3A = arith.constant 0.000000e+00 : f32
        %broadcast_in_dim3A_228 = vector.broadcast %broadcast_in_dim3A : f32 to vector<16xf32>
        %mul3A_229 = arith.constant 16 : i32
        %mul3A_230 = arith.muli %add3A_227, %mul3A_229 : i32
        %swap3A = arith.index_cast %mul3A_230 : i32 to index
        %swap3A_231 = tpu.vector_load %arg18[%swap3A] {strides = array<i32>} : memref<2000xf32, #tpu.memory_space<vmem>>, vector<16xf32>,
        tpu.vector_store %arg18[%swap3A], %broadcast_in_dim3A_228 {strides = array<i32>} : memref<2000xf32, #tpu.memory_space<vmem>>, vector<16xf32>,
      }
      %scan3A_110 = arith.constant 50 : i32
      %mul3A_111 = arith.constant 6400 : i32
      %mul3A_112 = arith.muli %arg1, %mul3A_111 : i32
      %add3A_113 = arith.constant 0 : i32
      %add3A_114 = arith.addi %mul3A_112, %add3A_113 : i32
      "tpu.region"() ({
        %run_scoped3A = tpu.sem_alloc : memref<!tpu.dma_semaphore, #tpu.memory_space<semaphore_mem>>
        %dma_start3A_223 = arith.constant 0 : i32
        %dma_start3A_224 = tpu.memref_slice %arg18[%dma_start3A_223] : memref<2000xf32, #tpu.memory_space<vmem>> -> memref<800xf32, #tpu.memory_space<vmem>>
        %dma_start3A_225 = tpu.memref_slice %arg26[%add3A_114] : memref<102400xf32, #tpu.memory_space<vmem_shared>> -> memref<800xf32, #tpu.memory_space<vmem_shared>>
        %dma_start3A_226 = tpu.memref_slice %arg26[%add3A_114] : memref<102400xf32, #tpu.memory_space<vmem_shared>> -> memref<800xf32, #tpu.memory_space<vmem_shared>>
        %dma_start3A_227 = arith.constant 0 : i32
        %dma_start3A_228 = tpu.memref_slice %arg18[%dma_start3A_227] : memref<2000xf32, #tpu.memory_space<vmem>> -> memref<800xf32, #tpu.memory_space<vmem>>
        tpu.enqueue_dma source(%dma_start3A_228 : memref<800xf32, #tpu.memory_space<vmem>>) target(%dma_start3A_226 : memref<800xf32, #tpu.memory_space<vmem_shared>>) target_semaphore(%run_scoped3A : memref<!tpu.dma_semaphore, #tpu.memory_space<semaphore_mem>>)
        %dma_wait3A_229 = arith.constant 0 : i32
        %dma_wait3A_230 = tpu.memref_slice %arg18[%dma_wait3A_229] : memref<2000xf32, #tpu.memory_space<vmem>> -> memref<800xf32, #tpu.memory_space<vmem>>
        %dma_wait3A_231 = tpu.memref_slice %arg26[%add3A_114] : memref<102400xf32, #tpu.memory_space<vmem_shared>> -> memref<800xf32, #tpu.memory_space<vmem_shared>>
        %dma_wait3A_232 = tpu.memref_slice %arg26[%add3A_114] : memref<102400xf32, #tpu.memory_space<vmem_shared>> -> memref<800xf32, #tpu.memory_space<vmem_shared>>
        %dma_wait3A_233 = arith.constant 0 : i32
        %dma_wait3A_234 = tpu.memref_slice %arg18[%dma_wait3A_233] : memref<2000xf32, #tpu.memory_space<vmem>> -> memref<800xf32, #tpu.memory_space<vmem>>
        tpu.wait_dma2 semaphore(%run_scoped3A : memref<!tpu.dma_semaphore, #tpu.memory_space<semaphore_mem>>) src(%dma_wait3A_234 : memref<800xf32, #tpu.memory_space<vmem>>) dst(%dma_wait3A_232 : memref<800xf32, #tpu.memory_space<vmem_shared>>)
        tpu.yield
      }) : () -> ()
      %mul3A_115 = arith.constant 6400 : i32
      %mul3A_116 = arith.muli %arg1, %mul3A_115 : i32
      %add3A_117 = arith.constant 800 : i32
      %add3A_118 = arith.addi %mul3A_116, %add3A_117 : i32
      "tpu.region"() ({
        %run_scoped3A = tpu.sem_alloc : memref<!tpu.dma_semaphore, #tpu.memory_space<semaphore_mem>>
        %dma_start3A_223 = arith.constant 0 : i32
        %dma_start3A_224 = tpu.memref_slice %arg18[%dma_start3A_223] : memref<2000xf32, #tpu.memory_space<vmem>> -> memref<800xf32, #tpu.memory_space<vmem>>
        %dma_start3A_225 = tpu.memref_slice %arg26[%add3A_118] : memref<102400xf32, #tpu.memory_space<vmem_shared>> -> memref<800xf32, #tpu.memory_space<vmem_shared>>
        %dma_start3A_226 = tpu.memref_slice %arg26[%add3A_118] : memref<102400xf32, #tpu.memory_space<vmem_shared>> -> memref<800xf32, #tpu.memory_space<vmem_shared>>
        %dma_start3A_227 = arith.constant 0 : i32
        %dma_start3A_228 = tpu.memref_slice %arg18[%dma_start3A_227] : memref<2000xf32, #tpu.memory_space<vmem>> -> memref<800xf32, #tpu.memory_space<vmem>>
        tpu.enqueue_dma source(%dma_start3A_228 : memref<800xf32, #tpu.memory_space<vmem>>) target(%dma_start3A_226 : memref<800xf32, #tpu.memory_space<vmem_shared>>) target_semaphore(%run_scoped3A : memref<!tpu.dma_semaphore, #tpu.memory_space<semaphore_mem>>)
        %dma_wait3A_229 = arith.constant 0 : i32
        %dma_wait3A_230 = tpu.memref_slice %arg18[%dma_wait3A_229] : memref<2000xf32, #tpu.memory_space<vmem>> -> memref<800xf32, #tpu.memory_space<vmem>>
        %dma_wait3A_231 = tpu.memref_slice %arg26[%add3A_118] : memref<102400xf32, #tpu.memory_space<vmem_shared>> -> memref<800xf32, #tpu.memory_space<vmem_shared>>
        %dma_wait3A_232 = tpu.memref_slice %arg26[%add3A_118] : memref<102400xf32, #tpu.memory_space<vmem_shared>> -> memref<800xf32, #tpu.memory_space<vmem_shared>>
        %dma_wait3A_233 = arith.constant 0 : i32
        %dma_wait3A_234 = tpu.memref_slice %arg18[%dma_wait3A_233] : memref<2000xf32, #tpu.memory_space<vmem>> -> memref<800xf32, #tpu.memory_space<vmem>>
        tpu.wait_dma2 semaphore(%run_scoped3A : memref<!tpu.dma_semaphore, #tpu.memory_space<semaphore_mem>>) src(%dma_wait3A_234 : memref<800xf32, #tpu.memory_space<vmem>>) dst(%dma_wait3A_232 : memref<800xf32, #tpu.memory_space<vmem_shared>>)
        tpu.yield
      }) : () -> ()
      %mul3A_119 = arith.constant 6400 : i32
      %mul3A_120 = arith.muli %arg1, %mul3A_119 : i32
      %add3A_121 = arith.constant 1600 : i32
      %add3A_122 = arith.addi %mul3A_120, %add3A_121 : i32
      "tpu.region"() ({
        %run_scoped3A = tpu.sem_alloc : memref<!tpu.dma_semaphore, #tpu.memory_space<semaphore_mem>>
        %dma_start3A_223 = arith.constant 0 : i32
        %dma_start3A_224 = tpu.memref_slice %arg18[%dma_start3A_223] : memref<2000xf32, #tpu.memory_space<vmem>> -> memref<800xf32, #tpu.memory_space<vmem>>
        %dma_start3A_225 = tpu.memref_slice %arg26[%add3A_122] : memref<102400xf32, #tpu.memory_space<vmem_shared>> -> memref<800xf32, #tpu.memory_space<vmem_shared>>
        %dma_start3A_226 = tpu.memref_slice %arg26[%add3A_122] : memref<102400xf32, #tpu.memory_space<vmem_shared>> -> memref<800xf32, #tpu.memory_space<vmem_shared>>
        %dma_start3A_227 = arith.constant 0 : i32
        %dma_start3A_228 = tpu.memref_slice %arg18[%dma_start3A_227] : memref<2000xf32, #tpu.memory_space<vmem>> -> memref<800xf32, #tpu.memory_space<vmem>>
        tpu.enqueue_dma source(%dma_start3A_228 : memref<800xf32, #tpu.memory_space<vmem>>) target(%dma_start3A_226 : memref<800xf32, #tpu.memory_space<vmem_shared>>) target_semaphore(%run_scoped3A : memref<!tpu.dma_semaphore, #tpu.memory_space<semaphore_mem>>)
        %dma_wait3A_229 = arith.constant 0 : i32
        %dma_wait3A_230 = tpu.memref_slice %arg18[%dma_wait3A_229] : memref<2000xf32, #tpu.memory_space<vmem>> -> memref<800xf32, #tpu.memory_space<vmem>>
        %dma_wait3A_231 = tpu.memref_slice %arg26[%add3A_122] : memref<102400xf32, #tpu.memory_space<vmem_shared>> -> memref<800xf32, #tpu.memory_space<vmem_shared>>
        %dma_wait3A_232 = tpu.memref_slice %arg26[%add3A_122] : memref<102400xf32, #tpu.memory_space<vmem_shared>> -> memref<800xf32, #tpu.memory_space<vmem_shared>>
        %dma_wait3A_233 = arith.constant 0 : i32
        %dma_wait3A_234 = tpu.memref_slice %arg18[%dma_wait3A_233] : memref<2000xf32, #tpu.memory_space<vmem>> -> memref<800xf32, #tpu.memory_space<vmem>>
        tpu.wait_dma2 semaphore(%run_scoped3A : memref<!tpu.dma_semaphore, #tpu.memory_space<semaphore_mem>>) src(%dma_wait3A_234 : memref<800xf32, #tpu.memory_space<vmem>>) dst(%dma_wait3A_232 : memref<800xf32, #tpu.memory_space<vmem_shared>>)
        tpu.yield
      }) : () -> ()
      %mul3A_123 = arith.constant 6400 : i32
      %mul3A_124 = arith.muli %arg1, %mul3A_123 : i32
      %add3A_125 = arith.constant 2400 : i32
      %add3A_126 = arith.addi %mul3A_124, %add3A_125 : i32
      "tpu.region"() ({
        %run_scoped3A = tpu.sem_alloc : memref<!tpu.dma_semaphore, #tpu.memory_space<semaphore_mem>>
        %dma_start3A_223 = arith.constant 0 : i32
        %dma_start3A_224 = tpu.memref_slice %arg18[%dma_start3A_223] : memref<2000xf32, #tpu.memory_space<vmem>> -> memref<800xf32, #tpu.memory_space<vmem>>
        %dma_start3A_225 = tpu.memref_slice %arg26[%add3A_126] : memref<102400xf32, #tpu.memory_space<vmem_shared>> -> memref<800xf32, #tpu.memory_space<vmem_shared>>
        %dma_start3A_226 = tpu.memref_slice %arg26[%add3A_126] : memref<102400xf32, #tpu.memory_space<vmem_shared>> -> memref<800xf32, #tpu.memory_space<vmem_shared>>
        %dma_start3A_227 = arith.constant 0 : i32
        %dma_start3A_228 = tpu.memref_slice %arg18[%dma_start3A_227] : memref<2000xf32, #tpu.memory_space<vmem>> -> memref<800xf32, #tpu.memory_space<vmem>>
        tpu.enqueue_dma source(%dma_start3A_228 : memref<800xf32, #tpu.memory_space<vmem>>) target(%dma_start3A_226 : memref<800xf32, #tpu.memory_space<vmem_shared>>) target_semaphore(%run_scoped3A : memref<!tpu.dma_semaphore, #tpu.memory_space<semaphore_mem>>)
        %dma_wait3A_229 = arith.constant 0 : i32
        %dma_wait3A_230 = tpu.memref_slice %arg18[%dma_wait3A_229] : memref<2000xf32, #tpu.memory_space<vmem>> -> memref<800xf32, #tpu.memory_space<vmem>>
        %dma_wait3A_231 = tpu.memref_slice %arg26[%add3A_126] : memref<102400xf32, #tpu.memory_space<vmem_shared>> -> memref<800xf32, #tpu.memory_space<vmem_shared>>
        %dma_wait3A_232 = tpu.memref_slice %arg26[%add3A_126] : memref<102400xf32, #tpu.memory_space<vmem_shared>> -> memref<800xf32, #tpu.memory_space<vmem_shared>>
        %dma_wait3A_233 = arith.constant 0 : i32
        %dma_wait3A_234 = tpu.memref_slice %arg18[%dma_wait3A_233] : memref<2000xf32, #tpu.memory_space<vmem>> -> memref<800xf32, #tpu.memory_space<vmem>>
        tpu.wait_dma2 semaphore(%run_scoped3A : memref<!tpu.dma_semaphore, #tpu.memory_space<semaphore_mem>>) src(%dma_wait3A_234 : memref<800xf32, #tpu.memory_space<vmem>>) dst(%dma_wait3A_232 : memref<800xf32, #tpu.memory_space<vmem_shared>>)
        tpu.yield
      }) : () -> ()
      %mul3A_127 = arith.constant 6400 : i32
      %mul3A_128 = arith.muli %arg1, %mul3A_127 : i32
      %add3A_129 = arith.constant 3200 : i32
      %add3A_130 = arith.addi %mul3A_128, %add3A_129 : i32
      "tpu.region"() ({
        %run_scoped3A = tpu.sem_alloc : memref<!tpu.dma_semaphore, #tpu.memory_space<semaphore_mem>>
        %dma_start3A_223 = arith.constant 0 : i32
        %dma_start3A_224 = tpu.memref_slice %arg18[%dma_start3A_223] : memref<2000xf32, #tpu.memory_space<vmem>> -> memref<800xf32, #tpu.memory_space<vmem>>
        %dma_start3A_225 = tpu.memref_slice %arg26[%add3A_130] : memref<102400xf32, #tpu.memory_space<vmem_shared>> -> memref<800xf32, #tpu.memory_space<vmem_shared>>
        %dma_start3A_226 = tpu.memref_slice %arg26[%add3A_130] : memref<102400xf32, #tpu.memory_space<vmem_shared>> -> memref<800xf32, #tpu.memory_space<vmem_shared>>
        %dma_start3A_227 = arith.constant 0 : i32
        %dma_start3A_228 = tpu.memref_slice %arg18[%dma_start3A_227] : memref<2000xf32, #tpu.memory_space<vmem>> -> memref<800xf32, #tpu.memory_space<vmem>>
        tpu.enqueue_dma source(%dma_start3A_228 : memref<800xf32, #tpu.memory_space<vmem>>) target(%dma_start3A_226 : memref<800xf32, #tpu.memory_space<vmem_shared>>) target_semaphore(%run_scoped3A : memref<!tpu.dma_semaphore, #tpu.memory_space<semaphore_mem>>)
        %dma_wait3A_229 = arith.constant 0 : i32
        %dma_wait3A_230 = tpu.memref_slice %arg18[%dma_wait3A_229] : memref<2000xf32, #tpu.memory_space<vmem>> -> memref<800xf32, #tpu.memory_space<vmem>>
        %dma_wait3A_231 = tpu.memref_slice %arg26[%add3A_130] : memref<102400xf32, #tpu.memory_space<vmem_shared>> -> memref<800xf32, #tpu.memory_space<vmem_shared>>
        %dma_wait3A_232 = tpu.memref_slice %arg26[%add3A_130] : memref<102400xf32, #tpu.memory_space<vmem_shared>> -> memref<800xf32, #tpu.memory_space<vmem_shared>>
        %dma_wait3A_233 = arith.constant 0 : i32
        %dma_wait3A_234 = tpu.memref_slice %arg18[%dma_wait3A_233] : memref<2000xf32, #tpu.memory_space<vmem>> -> memref<800xf32, #tpu.memory_space<vmem>>
        tpu.wait_dma2 semaphore(%run_scoped3A : memref<!tpu.dma_semaphore, #tpu.memory_space<semaphore_mem>>) src(%dma_wait3A_234 : memref<800xf32, #tpu.memory_space<vmem>>) dst(%dma_wait3A_232 : memref<800xf32, #tpu.memory_space<vmem_shared>>)
        tpu.yield
      }) : () -> ()
      %mul3A_131 = arith.constant 6400 : i32
      %mul3A_132 = arith.muli %arg1, %mul3A_131 : i32
      %add3A_133 = arith.constant 4000 : i32
      %add3A_134 = arith.addi %mul3A_132, %add3A_133 : i32
      "tpu.region"() ({
        %run_scoped3A = tpu.sem_alloc : memref<!tpu.dma_semaphore, #tpu.memory_space<semaphore_mem>>
        %dma_start3A_223 = arith.constant 0 : i32
        %dma_start3A_224 = tpu.memref_slice %arg18[%dma_start3A_223] : memref<2000xf32, #tpu.memory_space<vmem>> -> memref<800xf32, #tpu.memory_space<vmem>>
        %dma_start3A_225 = tpu.memref_slice %arg26[%add3A_134] : memref<102400xf32, #tpu.memory_space<vmem_shared>> -> memref<800xf32, #tpu.memory_space<vmem_shared>>
        %dma_start3A_226 = tpu.memref_slice %arg26[%add3A_134] : memref<102400xf32, #tpu.memory_space<vmem_shared>> -> memref<800xf32, #tpu.memory_space<vmem_shared>>
        %dma_start3A_227 = arith.constant 0 : i32
        %dma_start3A_228 = tpu.memref_slice %arg18[%dma_start3A_227] : memref<2000xf32, #tpu.memory_space<vmem>> -> memref<800xf32, #tpu.memory_space<vmem>>
        tpu.enqueue_dma source(%dma_start3A_228 : memref<800xf32, #tpu.memory_space<vmem>>) target(%dma_start3A_226 : memref<800xf32, #tpu.memory_space<vmem_shared>>) target_semaphore(%run_scoped3A : memref<!tpu.dma_semaphore, #tpu.memory_space<semaphore_mem>>)
        %dma_wait3A_229 = arith.constant 0 : i32
        %dma_wait3A_230 = tpu.memref_slice %arg18[%dma_wait3A_229] : memref<2000xf32, #tpu.memory_space<vmem>> -> memref<800xf32, #tpu.memory_space<vmem>>
        %dma_wait3A_231 = tpu.memref_slice %arg26[%add3A_134] : memref<102400xf32, #tpu.memory_space<vmem_shared>> -> memref<800xf32, #tpu.memory_space<vmem_shared>>
        %dma_wait3A_232 = tpu.memref_slice %arg26[%add3A_134] : memref<102400xf32, #tpu.memory_space<vmem_shared>> -> memref<800xf32, #tpu.memory_space<vmem_shared>>
        %dma_wait3A_233 = arith.constant 0 : i32
        %dma_wait3A_234 = tpu.memref_slice %arg18[%dma_wait3A_233] : memref<2000xf32, #tpu.memory_space<vmem>> -> memref<800xf32, #tpu.memory_space<vmem>>
        tpu.wait_dma2 semaphore(%run_scoped3A : memref<!tpu.dma_semaphore, #tpu.memory_space<semaphore_mem>>) src(%dma_wait3A_234 : memref<800xf32, #tpu.memory_space<vmem>>) dst(%dma_wait3A_232 : memref<800xf32, #tpu.memory_space<vmem_shared>>)
        tpu.yield
      }) : () -> ()
      %mul3A_135 = arith.constant 6400 : i32
      %mul3A_136 = arith.muli %arg1, %mul3A_135 : i32
      %add3A_137 = arith.constant 4800 : i32
      %add3A_138 = arith.addi %mul3A_136, %add3A_137 : i32
      "tpu.region"() ({
        %run_scoped3A = tpu.sem_alloc : memref<!tpu.dma_semaphore, #tpu.memory_space<semaphore_mem>>
        %dma_start3A_223 = arith.constant 0 : i32
        %dma_start3A_224 = tpu.memref_slice %arg18[%dma_start3A_223] : memref<2000xf32, #tpu.memory_space<vmem>> -> memref<800xf32, #tpu.memory_space<vmem>>
        %dma_start3A_225 = tpu.memref_slice %arg26[%add3A_138] : memref<102400xf32, #tpu.memory_space<vmem_shared>> -> memref<800xf32, #tpu.memory_space<vmem_shared>>
        %dma_start3A_226 = tpu.memref_slice %arg26[%add3A_138] : memref<102400xf32, #tpu.memory_space<vmem_shared>> -> memref<800xf32, #tpu.memory_space<vmem_shared>>
        %dma_start3A_227 = arith.constant 0 : i32
        %dma_start3A_228 = tpu.memref_slice %arg18[%dma_start3A_227] : memref<2000xf32, #tpu.memory_space<vmem>> -> memref<800xf32, #tpu.memory_space<vmem>>
        tpu.enqueue_dma source(%dma_start3A_228 : memref<800xf32, #tpu.memory_space<vmem>>) target(%dma_start3A_226 : memref<800xf32, #tpu.memory_space<vmem_shared>>) target_semaphore(%run_scoped3A : memref<!tpu.dma_semaphore, #tpu.memory_space<semaphore_mem>>)
        %dma_wait3A_229 = arith.constant 0 : i32
        %dma_wait3A_230 = tpu.memref_slice %arg18[%dma_wait3A_229] : memref<2000xf32, #tpu.memory_space<vmem>> -> memref<800xf32, #tpu.memory_space<vmem>>
        %dma_wait3A_231 = tpu.memref_slice %arg26[%add3A_138] : memref<102400xf32, #tpu.memory_space<vmem_shared>> -> memref<800xf32, #tpu.memory_space<vmem_shared>>
        %dma_wait3A_232 = tpu.memref_slice %arg26[%add3A_138] : memref<102400xf32, #tpu.memory_space<vmem_shared>> -> memref<800xf32, #tpu.memory_space<vmem_shared>>
        %dma_wait3A_233 = arith.constant 0 : i32
        %dma_wait3A_234 = tpu.memref_slice %arg18[%dma_wait3A_233] : memref<2000xf32, #tpu.memory_space<vmem>> -> memref<800xf32, #tpu.memory_space<vmem>>
        tpu.wait_dma2 semaphore(%run_scoped3A : memref<!tpu.dma_semaphore, #tpu.memory_space<semaphore_mem>>) src(%dma_wait3A_234 : memref<800xf32, #tpu.memory_space<vmem>>) dst(%dma_wait3A_232 : memref<800xf32, #tpu.memory_space<vmem_shared>>)
        tpu.yield
      }) : () -> ()
      %mul3A_139 = arith.constant 6400 : i32
      %mul3A_140 = arith.muli %arg1, %mul3A_139 : i32
      %add3A_141 = arith.constant 5600 : i32
      %add3A_142 = arith.addi %mul3A_140, %add3A_141 : i32
      "tpu.region"() ({
        %run_scoped3A = tpu.sem_alloc : memref<!tpu.dma_semaphore, #tpu.memory_space<semaphore_mem>>
        %dma_start3A_223 = arith.constant 0 : i32
        %dma_start3A_224 = tpu.memref_slice %arg18[%dma_start3A_223] : memref<2000xf32, #tpu.memory_space<vmem>> -> memref<800xf32, #tpu.memory_space<vmem>>
        %dma_start3A_225 = tpu.memref_slice %arg26[%add3A_142] : memref<102400xf32, #tpu.memory_space<vmem_shared>> -> memref<800xf32, #tpu.memory_space<vmem_shared>>
        %dma_start3A_226 = tpu.memref_slice %arg26[%add3A_142] : memref<102400xf32, #tpu.memory_space<vmem_shared>> -> memref<800xf32, #tpu.memory_space<vmem_shared>>
        %dma_start3A_227 = arith.constant 0 : i32
        %dma_start3A_228 = tpu.memref_slice %arg18[%dma_start3A_227] : memref<2000xf32, #tpu.memory_space<vmem>> -> memref<800xf32, #tpu.memory_space<vmem>>
        tpu.enqueue_dma source(%dma_start3A_228 : memref<800xf32, #tpu.memory_space<vmem>>) target(%dma_start3A_226 : memref<800xf32, #tpu.memory_space<vmem_shared>>) target_semaphore(%run_scoped3A : memref<!tpu.dma_semaphore, #tpu.memory_space<semaphore_mem>>)
        %dma_wait3A_229 = arith.constant 0 : i32
        %dma_wait3A_230 = tpu.memref_slice %arg18[%dma_wait3A_229] : memref<2000xf32, #tpu.memory_space<vmem>> -> memref<800xf32, #tpu.memory_space<vmem>>
        %dma_wait3A_231 = tpu.memref_slice %arg26[%add3A_142] : memref<102400xf32, #tpu.memory_space<vmem_shared>> -> memref<800xf32, #tpu.memory_space<vmem_shared>>
        %dma_wait3A_232 = tpu.memref_slice %arg26[%add3A_142] : memref<102400xf32, #tpu.memory_space<vmem_shared>> -> memref<800xf32, #tpu.memory_space<vmem_shared>>
        %dma_wait3A_233 = arith.constant 0 : i32
        %dma_wait3A_234 = tpu.memref_slice %arg18[%dma_wait3A_233] : memref<2000xf32, #tpu.memory_space<vmem>> -> memref<800xf32, #tpu.memory_space<vmem>>
        tpu.wait_dma2 semaphore(%run_scoped3A : memref<!tpu.dma_semaphore, #tpu.memory_space<semaphore_mem>>) src(%dma_wait3A_234 : memref<800xf32, #tpu.memory_space<vmem>>) dst(%dma_wait3A_232 : memref<800xf32, #tpu.memory_space<vmem_shared>>)
        tpu.yield
      }) : () -> ()
      %barrier3A_143 = arith.constant 0 : index
      tpu.barrier barrier_id(%barrier3A_143)
      %eq3A_144 = arith.constant 0 : i32
      %eq3A_145 = arith.cmpi eq, %arg1, %eq3A_144 : i32
      %convert_element_type3A_146 = arith.extui %eq3A_145 : i1 to i32
      %cond3A_147 = arith.constant 0 : i32
      %cond3A_148 = arith.cmpi ne, %convert_element_type3A_146, %cond3A_147 : i32
      scf.if %cond3A_148 {
        %add3A_223 = arith.constant 1 : i32
        %add3A_224 = arith.addi %add3A_51, %add3A_223 : i32
        %broadcast_in_dim3A = vector.broadcast %add3A_224 : i32 to vector<16xi32>
        %swap3A = arith.constant 0 : index
        %swap3A_225 = tpu.vector_load %arg25[%swap3A] {strides = array<i32>} : memref<16xi32, #tpu.memory_space<vmem>>, vector<16xi32>,
        tpu.vector_store %arg25[%swap3A], %broadcast_in_dim3A {strides = array<i32>} : memref<16xi32, #tpu.memory_space<vmem>>, vector<16xi32>,
        %mul3A_226 = arith.constant 16 : i32
        %mul3A_227 = arith.muli %arg0, %mul3A_226 : i32
        "tpu.region"() ({
          %run_scoped3A = tpu.sem_alloc : memref<!tpu.dma_semaphore, #tpu.memory_space<semaphore_mem>>
          %dma_start3A_228 = tpu.memref_slice %arg10[%mul3A_227] : memref<32xi32, #tpu.memory_space<hbm>> -> memref<16xi32, #tpu.memory_space<hbm>>
          %dma_start3A_229 = tpu.memref_slice %arg10[%mul3A_227] : memref<32xi32, #tpu.memory_space<hbm>> -> memref<16xi32, #tpu.memory_space<hbm>>
          tpu.enqueue_dma source(%arg25 : memref<16xi32, #tpu.memory_space<vmem>>) target(%dma_start3A_229 : memref<16xi32, #tpu.memory_space<hbm>>) target_semaphore(%run_scoped3A : memref<!tpu.dma_semaphore, #tpu.memory_space<semaphore_mem>>)
          %dma_wait3A_230 = tpu.memref_slice %arg10[%mul3A_227] : memref<32xi32, #tpu.memory_space<hbm>> -> memref<16xi32, #tpu.memory_space<hbm>>
          %dma_wait3A_231 = tpu.memref_slice %arg10[%mul3A_227] : memref<32xi32, #tpu.memory_space<hbm>> -> memref<16xi32, #tpu.memory_space<hbm>>
          tpu.wait_dma2 semaphore(%run_scoped3A : memref<!tpu.dma_semaphore, #tpu.memory_space<semaphore_mem>>) src(%arg25 : memref<16xi32, #tpu.memory_space<vmem>>) dst(%dma_wait3A_231 : memref<16xi32, #tpu.memory_space<hbm>>)
          tpu.yield
        }) : () -> ()
      } else {
      }
      %add3A_149 = arith.constant 1 : i32
      %add3A_150 = arith.addi %arg0, %add3A_149 : i32
      %jit3A = arith.constant 2 : i32
      %eq3A_151 = arith.constant 0 : i32
      %eq3A_152 = arith.cmpi eq, %jit3A, %eq3A_151 : i32
      %jit3A_153 = arith.constant 1 : i32
      %select_n3A = arith.select %eq3A_152, %jit3A_153, %jit3A : i32
      %rem3A = arith.remsi %add3A_150, %select_n3A : i32
      %ne3A = arith.constant 0 : i32
      %ne3A_154 = arith.cmpi ne, %rem3A, %ne3A : i32
      %lt3A = arith.constant 0 : i32
      %lt3A_155 = arith.cmpi slt, %rem3A, %lt3A : i32
      %lt3A_156 = arith.constant 0 : i32
      %lt3A_157 = arith.cmpi slt, %select_n3A, %lt3A_156 : i32
      %ne3A_158 = arith.xori %lt3A_155, %lt3A_157 : i1
      %and3A = arith.andi %ne3A_158, %ne3A_154 : i1
      %add3A_159 = arith.addi %rem3A, %select_n3A : i32
      %select_n3A_160 = arith.select %and3A, %add3A_159, %rem3A : i32
      %while3A = arith.constant -1 : i32
      %while3A_161 = arith.constant 0 : i32
      %while3A_162:2 = scf.while (%while3A_223 = %while3A, %while3A_224 = %while3A_161) : (i32, i32) -> (i32, i32) {
        %add3A_225 = arith.constant 1 : i32
        %add3A_226 = arith.addi %add3A_51, %add3A_225 : i32
        %lt3A_227 = arith.cmpi slt, %while3A_223, %add3A_226 : i32
        %lt3A_228 = arith.constant 4194304 : i32
        %lt3A_229 = arith.cmpi slt, %while3A_224, %lt3A_228 : i32
        %and3A_230 = arith.andi %lt3A_227, %lt3A_229 : i1
        scf.condition(%and3A_230) %while3A_223, %while3A_224 : i32, i32
      } do {
      ^bb0(%while3A_223: i32, %while3A_224: i32):
        %mul3A_225 = arith.constant 16 : i32
        %mul3A_226 = arith.muli %select_n3A_160, %mul3A_225 : i32
        "tpu.region"() ({
          %run_scoped3A = tpu.sem_alloc : memref<!tpu.dma_semaphore, #tpu.memory_space<semaphore_mem>>
          %dma_start3A_238 = tpu.memref_slice %arg10[%mul3A_226] : memref<32xi32, #tpu.memory_space<hbm>> -> memref<16xi32, #tpu.memory_space<hbm>>
          %dma_start3A_239 = tpu.memref_slice %arg10[%mul3A_226] : memref<32xi32, #tpu.memory_space<hbm>> -> memref<16xi32, #tpu.memory_space<hbm>>
          tpu.enqueue_dma source(%dma_start3A_239 : memref<16xi32, #tpu.memory_space<hbm>>) target(%arg24 : memref<16xi32, #tpu.memory_space<vmem>>) target_semaphore(%run_scoped3A : memref<!tpu.dma_semaphore, #tpu.memory_space<semaphore_mem>>)
          %dma_wait3A_240 = tpu.memref_slice %arg10[%mul3A_226] : memref<32xi32, #tpu.memory_space<hbm>> -> memref<16xi32, #tpu.memory_space<hbm>>
          %dma_wait3A_241 = tpu.memref_slice %arg10[%mul3A_226] : memref<32xi32, #tpu.memory_space<hbm>> -> memref<16xi32, #tpu.memory_space<hbm>>
          tpu.wait_dma2 semaphore(%run_scoped3A : memref<!tpu.dma_semaphore, #tpu.memory_space<semaphore_mem>>) src(%dma_wait3A_241 : memref<16xi32, #tpu.memory_space<hbm>>) dst(%arg24 : memref<16xi32, #tpu.memory_space<vmem>>)
          tpu.yield
        }) : () -> ()
        %get3A_227 = arith.constant 0 : index
        %get3A_228 = tpu.vector_load %arg24[%get3A_227] {strides = array<i32>} : memref<16xi32, #tpu.memory_space<vmem>>, vector<16xi32>,
        %reduce_max3A = arith.constant true
        %reduce_max3A_229 = vector.broadcast %reduce_max3A : i1 to vector<16xi1>
        %reduce_max3A_230 = arith.constant -2147483648 : i32
        %reduce_max3A_231 = vector.broadcast %reduce_max3A_230 : i32 to vector<16xi32>
        %reduce_max3A_232 = arith.xori %get3A_228, %reduce_max3A_231 : vector<16xi32>
        %reduce_max3A_233 = tpu.scan <max>, %reduce_max3A_232 masked %reduce_max3A_229 : vector<16xi32>, vector<16xi1> -> vector<16xi32>
        %reduce_max3A_234 = arith.xori %reduce_max3A_233, %reduce_max3A_231 : vector<16xi32>
        %reduce_max3A_235 = vector.extract %reduce_max3A_234[15] : i32 from vector<16xi32>
        %add3A_236 = arith.constant 1 : i32
        %add3A_237 = arith.addi %while3A_224, %add3A_236 : i32
        scf.yield %reduce_max3A_235, %add3A_237 : i32, i32
      }
      %mul3A_163 = arith.constant 6400 : i32
      %mul3A_164 = arith.muli %arg1, %mul3A_163 : i32
      %add3A_165 = arith.constant 0 : i32
      %add3A_166 = arith.addi %mul3A_164, %add3A_165 : i32
      "tpu.region"() ({
        %run_scoped3A = tpu.sem_alloc : memref<!tpu.dma_semaphore, #tpu.memory_space<semaphore_mem>>
        %dma_start3A_223 = tpu.memref_slice %arg8[%add3A_166] : memref<204800xf32, #tpu.memory_space<hbm>> -> memref<3200xf32, #tpu.memory_space<hbm>>
        %dma_start3A_224 = tpu.memref_slice %arg8[%add3A_166] : memref<204800xf32, #tpu.memory_space<hbm>> -> memref<3200xf32, #tpu.memory_space<hbm>>
        tpu.enqueue_dma source(%dma_start3A_224 : memref<3200xf32, #tpu.memory_space<hbm>>) target(%arg20 : memref<3200xf32, #tpu.memory_space<vmem>>) target_semaphore(%run_scoped3A : memref<!tpu.dma_semaphore, #tpu.memory_space<semaphore_mem>>)
        %dma_wait3A_225 = tpu.memref_slice %arg8[%add3A_166] : memref<204800xf32, #tpu.memory_space<hbm>> -> memref<3200xf32, #tpu.memory_space<hbm>>
        %dma_wait3A_226 = tpu.memref_slice %arg8[%add3A_166] : memref<204800xf32, #tpu.memory_space<hbm>> -> memref<3200xf32, #tpu.memory_space<hbm>>
        tpu.wait_dma2 semaphore(%run_scoped3A : memref<!tpu.dma_semaphore, #tpu.memory_space<semaphore_mem>>) src(%dma_wait3A_226 : memref<3200xf32, #tpu.memory_space<hbm>>) dst(%arg20 : memref<3200xf32, #tpu.memory_space<vmem>>)
        tpu.yield
      }) : () -> ()
      %add3A_167 = arith.constant 102400 : i32
      %add3A_168 = arith.addi %add3A_167, %add3A_166 : i32
      "tpu.region"() ({
        %run_scoped3A = tpu.sem_alloc : memref<!tpu.dma_semaphore, #tpu.memory_space<semaphore_mem>>
        %dma_start3A_223 = tpu.memref_slice %arg8[%add3A_168] : memref<204800xf32, #tpu.memory_space<hbm>> -> memref<3200xf32, #tpu.memory_space<hbm>>
        %dma_start3A_224 = tpu.memref_slice %arg8[%add3A_168] : memref<204800xf32, #tpu.memory_space<hbm>> -> memref<3200xf32, #tpu.memory_space<hbm>>
        tpu.enqueue_dma source(%dma_start3A_224 : memref<3200xf32, #tpu.memory_space<hbm>>) target(%arg21 : memref<3200xf32, #tpu.memory_space<vmem>>) target_semaphore(%run_scoped3A : memref<!tpu.dma_semaphore, #tpu.memory_space<semaphore_mem>>)
        %dma_wait3A_225 = tpu.memref_slice %arg8[%add3A_168] : memref<204800xf32, #tpu.memory_space<hbm>> -> memref<3200xf32, #tpu.memory_space<hbm>>
        %dma_wait3A_226 = tpu.memref_slice %arg8[%add3A_168] : memref<204800xf32, #tpu.memory_space<hbm>> -> memref<3200xf32, #tpu.memory_space<hbm>>
        tpu.wait_dma2 semaphore(%run_scoped3A : memref<!tpu.dma_semaphore, #tpu.memory_space<semaphore_mem>>) src(%dma_wait3A_226 : memref<3200xf32, #tpu.memory_space<hbm>>) dst(%arg21 : memref<3200xf32, #tpu.memory_space<vmem>>)
        tpu.yield
      }) : () -> ()
      %scan3A_169 = arith.constant 0 : i32
      %scan3A_170 = arith.constant 200 : i32
      %scan3A_171 = arith.addi %scan3A_169, %scan3A_170 : i32
      %scan3A_172 = arith.constant 1 : i32
      scf.for %scan3A_223 = %scan3A_169 to %scan3A_171 step %scan3A_172  : i32 {
        %mul3A_224 = arith.constant 1 : i32
        %mul3A_225 = arith.muli %scan3A_223, %mul3A_224 : i32
        %add3A_226 = arith.constant 0 : i32
        %add3A_227 = arith.addi %add3A_226, %mul3A_225 : i32
        %mul3A_228 = arith.constant 16 : i32
        %mul3A_229 = arith.muli %add3A_227, %mul3A_228 : i32
        %get3A_230 = arith.index_cast %mul3A_229 : i32 to index
        %get3A_231 = tpu.vector_load %arg20[%get3A_230] {strides = array<i32>} : memref<3200xf32, #tpu.memory_space<vmem>>, vector<16xf32>,
        %get3A_232 = arith.index_cast %mul3A_229 : i32 to index
        %get3A_233 = tpu.vector_load %arg21[%get3A_232] {strides = array<i32>} : memref<3200xf32, #tpu.memory_space<vmem>>, vector<16xf32>,
        %add3A_234 = arith.addf %get3A_231, %get3A_233 : vector<16xf32>
        %swap3A = arith.index_cast %mul3A_229 : i32 to index
        %swap3A_235 = tpu.vector_load %arg20[%swap3A] {strides = array<i32>} : memref<3200xf32, #tpu.memory_space<vmem>>, vector<16xf32>,
        tpu.vector_store %arg20[%swap3A], %add3A_234 {strides = array<i32>} : memref<3200xf32, #tpu.memory_space<vmem>>, vector<16xf32>,
      }
      %scan3A_173 = arith.constant 200 : i32
      "tpu.region"() ({
        %run_scoped3A = tpu.sem_alloc : memref<!tpu.dma_semaphore, #tpu.memory_space<semaphore_mem>>
        %dma_start3A_223 = tpu.memref_slice %arg2[%add3A_166] : memref<102400xf32, #tpu.memory_space<hbm>> -> memref<3200xf32, #tpu.memory_space<hbm>>
        %dma_start3A_224 = tpu.memref_slice %arg2[%add3A_166] : memref<102400xf32, #tpu.memory_space<hbm>> -> memref<3200xf32, #tpu.memory_space<hbm>>
        tpu.enqueue_dma source(%dma_start3A_224 : memref<3200xf32, #tpu.memory_space<hbm>>) target(%arg21 : memref<3200xf32, #tpu.memory_space<vmem>>) target_semaphore(%run_scoped3A : memref<!tpu.dma_semaphore, #tpu.memory_space<semaphore_mem>>)
        %dma_wait3A_225 = tpu.memref_slice %arg2[%add3A_166] : memref<102400xf32, #tpu.memory_space<hbm>> -> memref<3200xf32, #tpu.memory_space<hbm>>
        %dma_wait3A_226 = tpu.memref_slice %arg2[%add3A_166] : memref<102400xf32, #tpu.memory_space<hbm>> -> memref<3200xf32, #tpu.memory_space<hbm>>
        tpu.wait_dma2 semaphore(%run_scoped3A : memref<!tpu.dma_semaphore, #tpu.memory_space<semaphore_mem>>) src(%dma_wait3A_226 : memref<3200xf32, #tpu.memory_space<hbm>>) dst(%arg21 : memref<3200xf32, #tpu.memory_space<vmem>>)
        tpu.yield
      }) : () -> ()
      %scan3A_174 = arith.constant 0 : i32
      %scan3A_175 = arith.constant 200 : i32
      %scan3A_176 = arith.addi %scan3A_174, %scan3A_175 : i32
      %scan3A_177 = arith.constant 1 : i32
      scf.for %scan3A_223 = %scan3A_174 to %scan3A_176 step %scan3A_177  : i32 {
        %mul3A_224 = arith.constant 1 : i32
        %mul3A_225 = arith.muli %scan3A_223, %mul3A_224 : i32
        %add3A_226 = arith.constant 0 : i32
        %add3A_227 = arith.addi %add3A_226, %mul3A_225 : i32
        %mul3A_228 = arith.constant 16 : i32
        %mul3A_229 = arith.muli %add3A_227, %mul3A_228 : i32
        %get3A_230 = arith.index_cast %mul3A_229 : i32 to index
        %get3A_231 = tpu.vector_load %arg20[%get3A_230] {strides = array<i32>} : memref<3200xf32, #tpu.memory_space<vmem>>, vector<16xf32>,
        %get3A_232 = arith.index_cast %mul3A_229 : i32 to index
        %get3A_233 = tpu.vector_load %arg21[%get3A_232] {strides = array<i32>} : memref<3200xf32, #tpu.memory_space<vmem>>, vector<16xf32>,
        %add3A_234 = arith.addf %get3A_231, %get3A_233 : vector<16xf32>
        %swap3A = arith.index_cast %mul3A_229 : i32 to index
        %swap3A_235 = tpu.vector_load %arg20[%swap3A] {strides = array<i32>} : memref<3200xf32, #tpu.memory_space<vmem>>, vector<16xf32>,
        tpu.vector_store %arg20[%swap3A], %add3A_234 {strides = array<i32>} : memref<3200xf32, #tpu.memory_space<vmem>>, vector<16xf32>,
      }
      %scan3A_178 = arith.constant 200 : i32
      %mul3A_179 = arith.constant 102400 : i32
      %mul3A_180 = arith.muli %arg0, %mul3A_179 : i32
      %add3A_181 = arith.addi %mul3A_180, %add3A_166 : i32
      "tpu.region"() ({
        %run_scoped3A = tpu.sem_alloc : memref<!tpu.dma_semaphore, #tpu.memory_space<semaphore_mem>>
        %dma_start3A_223 = tpu.memref_slice %arg9[%add3A_181] : memref<204800xf32, #tpu.memory_space<hbm>> -> memref<3200xf32, #tpu.memory_space<hbm>>
        %dma_start3A_224 = tpu.memref_slice %arg9[%add3A_181] : memref<204800xf32, #tpu.memory_space<hbm>> -> memref<3200xf32, #tpu.memory_space<hbm>>
        tpu.enqueue_dma source(%arg20 : memref<3200xf32, #tpu.memory_space<vmem>>) target(%dma_start3A_224 : memref<3200xf32, #tpu.memory_space<hbm>>) target_semaphore(%run_scoped3A : memref<!tpu.dma_semaphore, #tpu.memory_space<semaphore_mem>>)
        %dma_wait3A_225 = tpu.memref_slice %arg9[%add3A_181] : memref<204800xf32, #tpu.memory_space<hbm>> -> memref<3200xf32, #tpu.memory_space<hbm>>
        %dma_wait3A_226 = tpu.memref_slice %arg9[%add3A_181] : memref<204800xf32, #tpu.memory_space<hbm>> -> memref<3200xf32, #tpu.memory_space<hbm>>
        tpu.wait_dma2 semaphore(%run_scoped3A : memref<!tpu.dma_semaphore, #tpu.memory_space<semaphore_mem>>) src(%arg20 : memref<3200xf32, #tpu.memory_space<vmem>>) dst(%dma_wait3A_226 : memref<3200xf32, #tpu.memory_space<hbm>>)
        tpu.yield
      }) : () -> ()
      %eq3A_182 = arith.constant 4 : i32
      %eq3A_183 = arith.cmpi eq, %add3A_51, %eq3A_182 : i32
      %eq3A_184 = arith.constant 0 : i32
      %eq3A_185 = arith.cmpi eq, %arg0, %eq3A_184 : i32
      %and3A_186 = arith.andi %eq3A_183, %eq3A_185 : i1
      %convert_element_type3A_187 = arith.extui %and3A_186 : i1 to i32
      %cond3A_188 = arith.constant 0 : i32
      %cond3A_189 = arith.cmpi ne, %convert_element_type3A_187, %cond3A_188 : i32
      scf.if %cond3A_189 {
        "tpu.region"() ({
          %run_scoped3A = tpu.sem_alloc : memref<!tpu.dma_semaphore, #tpu.memory_space<semaphore_mem>>
          %dma_start3A_223 = tpu.memref_slice %arg7[%add3A_166] : memref<102400xf32, #tpu.memory_space<hbm>> -> memref<3200xf32, #tpu.memory_space<hbm>>
          %dma_start3A_224 = tpu.memref_slice %arg7[%add3A_166] : memref<102400xf32, #tpu.memory_space<hbm>> -> memref<3200xf32, #tpu.memory_space<hbm>>
          tpu.enqueue_dma source(%arg20 : memref<3200xf32, #tpu.memory_space<vmem>>) target(%dma_start3A_224 : memref<3200xf32, #tpu.memory_space<hbm>>) target_semaphore(%run_scoped3A : memref<!tpu.dma_semaphore, #tpu.memory_space<semaphore_mem>>)
          %dma_wait3A_225 = tpu.memref_slice %arg7[%add3A_166] : memref<102400xf32, #tpu.memory_space<hbm>> -> memref<3200xf32, #tpu.memory_space<hbm>>
          %dma_wait3A_226 = tpu.memref_slice %arg7[%add3A_166] : memref<102400xf32, #tpu.memory_space<hbm>> -> memref<3200xf32, #tpu.memory_space<hbm>>
          tpu.wait_dma2 semaphore(%run_scoped3A : memref<!tpu.dma_semaphore, #tpu.memory_space<semaphore_mem>>) src(%arg20 : memref<3200xf32, #tpu.memory_space<vmem>>) dst(%dma_wait3A_226 : memref<3200xf32, #tpu.memory_space<hbm>>)
          tpu.yield
        }) : () -> ()
      } else {
      }
      %mul3A_190 = arith.constant 6400 : i32
      %mul3A_191 = arith.muli %arg1, %mul3A_190 : i32
      %add3A_192 = arith.constant 3200 : i32
      %add3A_193 = arith.addi %mul3A_191, %add3A_192 : i32
      "tpu.region"() ({
        %run_scoped3A = tpu.sem_alloc : memref<!tpu.dma_semaphore, #tpu.memory_space<semaphore_mem>>
        %dma_start3A_223 = tpu.memref_slice %arg8[%add3A_193] : memref<204800xf32, #tpu.memory_space<hbm>> -> memref<3200xf32, #tpu.memory_space<hbm>>
        %dma_start3A_224 = tpu.memref_slice %arg8[%add3A_193] : memref<204800xf32, #tpu.memory_space<hbm>> -> memref<3200xf32, #tpu.memory_space<hbm>>
        tpu.enqueue_dma source(%dma_start3A_224 : memref<3200xf32, #tpu.memory_space<hbm>>) target(%arg20 : memref<3200xf32, #tpu.memory_space<vmem>>) target_semaphore(%run_scoped3A : memref<!tpu.dma_semaphore, #tpu.memory_space<semaphore_mem>>)
        %dma_wait3A_225 = tpu.memref_slice %arg8[%add3A_193] : memref<204800xf32, #tpu.memory_space<hbm>> -> memref<3200xf32, #tpu.memory_space<hbm>>
        %dma_wait3A_226 = tpu.memref_slice %arg8[%add3A_193] : memref<204800xf32, #tpu.memory_space<hbm>> -> memref<3200xf32, #tpu.memory_space<hbm>>
        tpu.wait_dma2 semaphore(%run_scoped3A : memref<!tpu.dma_semaphore, #tpu.memory_space<semaphore_mem>>) src(%dma_wait3A_226 : memref<3200xf32, #tpu.memory_space<hbm>>) dst(%arg20 : memref<3200xf32, #tpu.memory_space<vmem>>)
        tpu.yield
      }) : () -> ()
      %add3A_194 = arith.constant 102400 : i32
      %add3A_195 = arith.addi %add3A_194, %add3A_193 : i32
      "tpu.region"() ({
        %run_scoped3A = tpu.sem_alloc : memref<!tpu.dma_semaphore, #tpu.memory_space<semaphore_mem>>
        %dma_start3A_223 = tpu.memref_slice %arg8[%add3A_195] : memref<204800xf32, #tpu.memory_space<hbm>> -> memref<3200xf32, #tpu.memory_space<hbm>>
        %dma_start3A_224 = tpu.memref_slice %arg8[%add3A_195] : memref<204800xf32, #tpu.memory_space<hbm>> -> memref<3200xf32, #tpu.memory_space<hbm>>
        tpu.enqueue_dma source(%dma_start3A_224 : memref<3200xf32, #tpu.memory_space<hbm>>) target(%arg21 : memref<3200xf32, #tpu.memory_space<vmem>>) target_semaphore(%run_scoped3A : memref<!tpu.dma_semaphore, #tpu.memory_space<semaphore_mem>>)
        %dma_wait3A_225 = tpu.memref_slice %arg8[%add3A_195] : memref<204800xf32, #tpu.memory_space<hbm>> -> memref<3200xf32, #tpu.memory_space<hbm>>
        %dma_wait3A_226 = tpu.memref_slice %arg8[%add3A_195] : memref<204800xf32, #tpu.memory_space<hbm>> -> memref<3200xf32, #tpu.memory_space<hbm>>
        tpu.wait_dma2 semaphore(%run_scoped3A : memref<!tpu.dma_semaphore, #tpu.memory_space<semaphore_mem>>) src(%dma_wait3A_226 : memref<3200xf32, #tpu.memory_space<hbm>>) dst(%arg21 : memref<3200xf32, #tpu.memory_space<vmem>>)
        tpu.yield
      }) : () -> ()
      %scan3A_196 = arith.constant 0 : i32
      %scan3A_197 = arith.constant 200 : i32
      %scan3A_198 = arith.addi %scan3A_196, %scan3A_197 : i32
      %scan3A_199 = arith.constant 1 : i32
      scf.for %scan3A_223 = %scan3A_196 to %scan3A_198 step %scan3A_199  : i32 {
        %mul3A_224 = arith.constant 1 : i32
        %mul3A_225 = arith.muli %scan3A_223, %mul3A_224 : i32
        %add3A_226 = arith.constant 0 : i32
        %add3A_227 = arith.addi %add3A_226, %mul3A_225 : i32
        %mul3A_228 = arith.constant 16 : i32
        %mul3A_229 = arith.muli %add3A_227, %mul3A_228 : i32
        %get3A_230 = arith.index_cast %mul3A_229 : i32 to index
        %get3A_231 = tpu.vector_load %arg20[%get3A_230] {strides = array<i32>} : memref<3200xf32, #tpu.memory_space<vmem>>, vector<16xf32>,
        %get3A_232 = arith.index_cast %mul3A_229 : i32 to index
        %get3A_233 = tpu.vector_load %arg21[%get3A_232] {strides = array<i32>} : memref<3200xf32, #tpu.memory_space<vmem>>, vector<16xf32>,
        %add3A_234 = arith.addf %get3A_231, %get3A_233 : vector<16xf32>
        %swap3A = arith.index_cast %mul3A_229 : i32 to index
        %swap3A_235 = tpu.vector_load %arg20[%swap3A] {strides = array<i32>} : memref<3200xf32, #tpu.memory_space<vmem>>, vector<16xf32>,
        tpu.vector_store %arg20[%swap3A], %add3A_234 {strides = array<i32>} : memref<3200xf32, #tpu.memory_space<vmem>>, vector<16xf32>,
      }
      %scan3A_200 = arith.constant 200 : i32
      "tpu.region"() ({
        %run_scoped3A = tpu.sem_alloc : memref<!tpu.dma_semaphore, #tpu.memory_space<semaphore_mem>>
        %dma_start3A_223 = tpu.memref_slice %arg2[%add3A_193] : memref<102400xf32, #tpu.memory_space<hbm>> -> memref<3200xf32, #tpu.memory_space<hbm>>
        %dma_start3A_224 = tpu.memref_slice %arg2[%add3A_193] : memref<102400xf32, #tpu.memory_space<hbm>> -> memref<3200xf32, #tpu.memory_space<hbm>>
        tpu.enqueue_dma source(%dma_start3A_224 : memref<3200xf32, #tpu.memory_space<hbm>>) target(%arg21 : memref<3200xf32, #tpu.memory_space<vmem>>) target_semaphore(%run_scoped3A : memref<!tpu.dma_semaphore, #tpu.memory_space<semaphore_mem>>)
        %dma_wait3A_225 = tpu.memref_slice %arg2[%add3A_193] : memref<102400xf32, #tpu.memory_space<hbm>> -> memref<3200xf32, #tpu.memory_space<hbm>>
        %dma_wait3A_226 = tpu.memref_slice %arg2[%add3A_193] : memref<102400xf32, #tpu.memory_space<hbm>> -> memref<3200xf32, #tpu.memory_space<hbm>>
        tpu.wait_dma2 semaphore(%run_scoped3A : memref<!tpu.dma_semaphore, #tpu.memory_space<semaphore_mem>>) src(%dma_wait3A_226 : memref<3200xf32, #tpu.memory_space<hbm>>) dst(%arg21 : memref<3200xf32, #tpu.memory_space<vmem>>)
        tpu.yield
      }) : () -> ()
      %scan3A_201 = arith.constant 0 : i32
      %scan3A_202 = arith.constant 200 : i32
      %scan3A_203 = arith.addi %scan3A_201, %scan3A_202 : i32
      %scan3A_204 = arith.constant 1 : i32
      scf.for %scan3A_223 = %scan3A_201 to %scan3A_203 step %scan3A_204  : i32 {
        %mul3A_224 = arith.constant 1 : i32
        %mul3A_225 = arith.muli %scan3A_223, %mul3A_224 : i32
        %add3A_226 = arith.constant 0 : i32
        %add3A_227 = arith.addi %add3A_226, %mul3A_225 : i32
        %mul3A_228 = arith.constant 16 : i32
        %mul3A_229 = arith.muli %add3A_227, %mul3A_228 : i32
        %get3A_230 = arith.index_cast %mul3A_229 : i32 to index
        %get3A_231 = tpu.vector_load %arg20[%get3A_230] {strides = array<i32>} : memref<3200xf32, #tpu.memory_space<vmem>>, vector<16xf32>,
        %get3A_232 = arith.index_cast %mul3A_229 : i32 to index
        %get3A_233 = tpu.vector_load %arg21[%get3A_232] {strides = array<i32>} : memref<3200xf32, #tpu.memory_space<vmem>>, vector<16xf32>,
        %add3A_234 = arith.addf %get3A_231, %get3A_233 : vector<16xf32>
        %swap3A = arith.index_cast %mul3A_229 : i32 to index
        %swap3A_235 = tpu.vector_load %arg20[%swap3A] {strides = array<i32>} : memref<3200xf32, #tpu.memory_space<vmem>>, vector<16xf32>,
        tpu.vector_store %arg20[%swap3A], %add3A_234 {strides = array<i32>} : memref<3200xf32, #tpu.memory_space<vmem>>, vector<16xf32>,
      }
      %scan3A_205 = arith.constant 200 : i32
      %mul3A_206 = arith.constant 102400 : i32
      %mul3A_207 = arith.muli %arg0, %mul3A_206 : i32
      %add3A_208 = arith.addi %mul3A_207, %add3A_193 : i32
      "tpu.region"() ({
        %run_scoped3A = tpu.sem_alloc : memref<!tpu.dma_semaphore, #tpu.memory_space<semaphore_mem>>
        %dma_start3A_223 = tpu.memref_slice %arg9[%add3A_208] : memref<204800xf32, #tpu.memory_space<hbm>> -> memref<3200xf32, #tpu.memory_space<hbm>>
        %dma_start3A_224 = tpu.memref_slice %arg9[%add3A_208] : memref<204800xf32, #tpu.memory_space<hbm>> -> memref<3200xf32, #tpu.memory_space<hbm>>
        tpu.enqueue_dma source(%arg20 : memref<3200xf32, #tpu.memory_space<vmem>>) target(%dma_start3A_224 : memref<3200xf32, #tpu.memory_space<hbm>>) target_semaphore(%run_scoped3A : memref<!tpu.dma_semaphore, #tpu.memory_space<semaphore_mem>>)
        %dma_wait3A_225 = tpu.memref_slice %arg9[%add3A_208] : memref<204800xf32, #tpu.memory_space<hbm>> -> memref<3200xf32, #tpu.memory_space<hbm>>
        %dma_wait3A_226 = tpu.memref_slice %arg9[%add3A_208] : memref<204800xf32, #tpu.memory_space<hbm>> -> memref<3200xf32, #tpu.memory_space<hbm>>
        tpu.wait_dma2 semaphore(%run_scoped3A : memref<!tpu.dma_semaphore, #tpu.memory_space<semaphore_mem>>) src(%arg20 : memref<3200xf32, #tpu.memory_space<vmem>>) dst(%dma_wait3A_226 : memref<3200xf32, #tpu.memory_space<hbm>>)
        tpu.yield
      }) : () -> ()
      %eq3A_209 = arith.constant 4 : i32
      %eq3A_210 = arith.cmpi eq, %add3A_51, %eq3A_209 : i32
      %eq3A_211 = arith.constant 0 : i32
      %eq3A_212 = arith.cmpi eq, %arg0, %eq3A_211 : i32
      %and3A_213 = arith.andi %eq3A_210, %eq3A_212 : i1
      %convert_element_type3A_214 = arith.extui %and3A_213 : i1 to i32
      %cond3A_215 = arith.constant 0 : i32
      %cond3A_216 = arith.cmpi ne, %convert_element_type3A_214, %cond3A_215 : i32
      scf.if %cond3A_216 {
        "tpu.region"() ({
          %run_scoped3A = tpu.sem_alloc : memref<!tpu.dma_semaphore, #tpu.memory_space<semaphore_mem>>
          %dma_start3A_223 = tpu.memref_slice %arg7[%add3A_193] : memref<102400xf32, #tpu.memory_space<hbm>> -> memref<3200xf32, #tpu.memory_space<hbm>>
          %dma_start3A_224 = tpu.memref_slice %arg7[%add3A_193] : memref<102400xf32, #tpu.memory_space<hbm>> -> memref<3200xf32, #tpu.memory_space<hbm>>
          tpu.enqueue_dma source(%arg20 : memref<3200xf32, #tpu.memory_space<vmem>>) target(%dma_start3A_224 : memref<3200xf32, #tpu.memory_space<hbm>>) target_semaphore(%run_scoped3A : memref<!tpu.dma_semaphore, #tpu.memory_space<semaphore_mem>>)
          %dma_wait3A_225 = tpu.memref_slice %arg7[%add3A_193] : memref<102400xf32, #tpu.memory_space<hbm>> -> memref<3200xf32, #tpu.memory_space<hbm>>
          %dma_wait3A_226 = tpu.memref_slice %arg7[%add3A_193] : memref<102400xf32, #tpu.memory_space<hbm>> -> memref<3200xf32, #tpu.memory_space<hbm>>
          tpu.wait_dma2 semaphore(%run_scoped3A : memref<!tpu.dma_semaphore, #tpu.memory_space<semaphore_mem>>) src(%arg20 : memref<3200xf32, #tpu.memory_space<vmem>>) dst(%dma_wait3A_226 : memref<3200xf32, #tpu.memory_space<hbm>>)
          tpu.yield
        }) : () -> ()
      } else {
      }
      %barrier3A_217 = arith.constant 0 : index
      tpu.barrier barrier_id(%barrier3A_217)
      %lt3A_218 = arith.constant 4 : i32
      %lt3A_219 = arith.cmpi slt, %add3A_51, %lt3A_218 : i32
      %convert_element_type3A_220 = arith.extui %lt3A_219 : i1 to i32
      %cond3A_221 = arith.constant 0 : i32
      %cond3A_222 = arith.cmpi ne, %convert_element_type3A_220, %cond3A_221 : i32
      scf.if %cond3A_222 {
        %mul3A_223 = arith.constant 102400 : i32
        %mul3A_224 = arith.muli %arg0, %mul3A_223 : i32
        "tpu.region"() ({
          %run_scoped3A = tpu.sem_alloc : memref<!tpu.dma_semaphore, #tpu.memory_space<semaphore_mem>>
          %dma_start3A_225 = tpu.memref_slice %arg9[%mul3A_224] : memref<204800xf32, #tpu.memory_space<hbm>> -> memref<100000xf32, #tpu.memory_space<hbm>>
          %dma_start3A_226 = tpu.memref_slice %arg9[%mul3A_224] : memref<204800xf32, #tpu.memory_space<hbm>> -> memref<100000xf32, #tpu.memory_space<hbm>>
          tpu.enqueue_dma source(%dma_start3A_226 : memref<100000xf32, #tpu.memory_space<hbm>>) target(%arg11 : memref<100000xf32, #tpu.memory_space<vmem>>) target_semaphore(%run_scoped3A : memref<!tpu.dma_semaphore, #tpu.memory_space<semaphore_mem>>)
          %dma_wait3A_227 = tpu.memref_slice %arg9[%mul3A_224] : memref<204800xf32, #tpu.memory_space<hbm>> -> memref<100000xf32, #tpu.memory_space<hbm>>
          %dma_wait3A_228 = tpu.memref_slice %arg9[%mul3A_224] : memref<204800xf32, #tpu.memory_space<hbm>> -> memref<100000xf32, #tpu.memory_space<hbm>>
          tpu.wait_dma2 semaphore(%run_scoped3A : memref<!tpu.dma_semaphore, #tpu.memory_space<semaphore_mem>>) src(%dma_wait3A_228 : memref<100000xf32, #tpu.memory_space<hbm>>) dst(%arg11 : memref<100000xf32, #tpu.memory_space<vmem>>)
          tpu.yield
        }) : () -> ()
      } else {
      }
    }
    %scan3A_46 = arith.constant 5 : i32
    return
  }
}

</mosaic_0001>

<sc_bundles>
// kernel: kernel.3.cloned.1.call-start
scs
__scs_entry_jumppad:
0x0: {  	(pc) =	sbr.rel $0x88, $3  }
0x1: {  	(tag) =	ssettag $0x0;
	lr =	simm.s32 $0x1  }
0x2: {  	[smem:$0x3F9C] =	sst lr;
	_ =	strace $0xD0000000  }
0x3: {  	_ = 	snop  }
0x4: {  	_ = 	snop  }
0x5: {  	_ = 	snop  }
0x6: {  	_ = 	snop  }
0x7: {  	_ = 	snop  }
__scs_overlays_trampoline_lowered:
0x8: {  	[smem:$0x3FAB] =	sst s0  }
0x9: {  	[smem:$0x3FAC] =	sst s1  }
0xa: {  	[smem:$0x3FAD] =	sst s2  }
0xb: {  	[smem:$0x3FAE] =	sst s3  }
0xc: {  	[smem:$0x3FAF] =	sst s4  }
0xd: {  	[smem:$0x3FB0] =	sst s5  }
0xe: {  	[smem:$0x3FB1] =	sst s6  }
0xf: {  	[smem:$0x3FB2] =	sst s7  }
0x10: {  	[smem:$0x3FB3] =	sst s8  }
0x11: {  	[smem:$0x3FB4] =	sst s9;
	s0 =	simm.s32 @!p0 $0x0  }
0x12: {  	s1 =	sld [smem:$0x3F9A];
	s0 =	simm.s32 @p0 $0x1  }
0x13: {  	[smem:$0x3FB5] =	sst s0;
	s0 =	simm.s32 @!p1 $0x0  }
0x14: {  	s2 =	sld [smem:$0x3F99];
	s0 =	simm.s32 @p1 $0x1  }
0x15: {  	[smem:$0x3FB6] =	sst s0;
	s0 =	simm.s32 @!p2 $0x0  }
0x16: {  	s3 =	sld [smem:$0x3FDB];
	s0 =	simm.s32 @p2 $0x1  }
0x17: {  	s4 =	simm.s32 $0x1BF5;
	[smem:$0x3FB8] =	sst s0  }
0x18: {  	s0 =	sld [smem:$0x3F9B];
	_ =	swait.ge [sflag:s4], $0x0  }
0x19: {  	s7 =	sld [smem:$0x3F9C]  }
0x1a: {  	s8 =	sadd.s32 $0xFFFFE003, lr  }
0x1b: {  	s9 =	sadd.s32 $0xFFFFFEF7, lr;
	s5 =	simm.s32 $0xFFFFFFFF;
	p2 =	slt.u32 s8, $0xFFFFF086  }
0x1c: {  	p1 =	slt.u32 s9, $0xF7A;
	s5 =	simm.s32 @!p2 $0x0  }
0x1d: {  	s5 =	simm.s32 @p1 $0x1;
	p0 =	seq.s32 s7, s2  }
0x1e: {  	s7 =	smul.u32 @!p0 $0xF7A, s2;
	p2 =	seq.s32 @!p0 s5, $0x0  }
0x1f: {  	s9 =	smul.u32 $0xF7A, s1;
	s8 =	simm.s32 @!p0 $0x1BF5;
	p2 =	por !p2, p0  }
0x20: {  	[sflag:s8] =	ssyncset.s32 @!p0 $0xFFFFF086;
	s6 =	sadd.s32 @!p0 s3, s7;
	s7 =	simm.s32 @!p0 $0x108  }
0x21: {  	s3 =	sadd.s32 s3, s9;
	s6 =	sadd.s32 @!p0 $0x88, s6;
	s7 =	simm.s32 @p2 $0x1082  }
0x22: {  	[simem:s7], [sflag:s8] =	dma.local @!p0 [hbm:s6], $0xF7A  }
0x23: {  	s9 =	sor.u32 $0xD0000000, s2;
	s6 =	simm.s32 $0x108;
	_ =	swait.ge @!p0 [sflag:s8], $0x0  }
0x24: {  	s3 =	sadd.s32 $0x88, s3;
	s6 =	simm.s32 @!p1 $0x1082;
	[sflag:s4] =	ssyncset.s32 $0xFFFFF086  }
0x25: {  	[simem:s6], [sflag:s4] =	dma.local [hbm:s3], $0xF7A  }
0x26: {  	[smem:$0x3F9C] =	sst s1;
	(tag) =	ssettag s2;
	_ =	strace s9  }
0x27: {  	s1 =	sld [smem:$0x3FAC]  }
0x28: {  	s2 =	sld [smem:$0x3FAD]  }
0x29: {  	s4 =	sld [smem:$0x3FAF]  }
0x2a: {  	p0 =	seq.s32 s5, $0x0;
	s5 =	sld [smem:$0x3FB0]  }
0x2b: {  	s6 =	sld [smem:$0x3FB1]  }
0x2c: {  	s7 =	sld [smem:$0x3FB2]  }
0x2d: {  	s3 =	simm.s32 $0x108;
	s8 =	sld [smem:$0x3FB3]  }
0x2e: {  	s3 =	simm.s32 @!p0 $0x1082;
	s9 =	sld [smem:$0x3FB4]  }
0x2f: {  	lr =	sadd.s32 s0, s3;
	s0 =	sld [smem:$0x3FAB]  }
0x30: {  	s3 =	sld [smem:$0x3FAE]  }
0x31: {  	[smem:$0x3FB7] =	sst s10  }
0x32: {  	s10 =	sld [smem:$0x3FB5];
	_ =	sdelay $0x3  }
0x33: {  	p0 =	seq.s32 s10, $0x1;
	s10 =	sld [smem:$0x3FB7];
	_ =	sdelay $0x3  }
0x34: {  	[smem:$0x3FB7] =	sst s10  }
0x35: {  	s10 =	sld [smem:$0x3FB6];
	_ =	sdelay $0x3  }
0x36: {  	p1 =	seq.s32 s10, $0x1;
	s10 =	sld [smem:$0x3FB7];
	_ =	sdelay $0x3  }
0x37: {  	[smem:$0x3FB7] =	sst s10  }
0x38: {  	s10 =	sld [smem:$0x3FB8]  }
0x39: {  	_ = 	snop;
	(pc) =	sbr.ind lr, $3  }
0x3a: {  	_ = 	snop  }
0x3b: {  	_ = 	snop  }
0x3c: {  	p2 =	seq.s32 s10, $0x1;
	s10 =	sld [smem:$0x3FB7]  }
0x3d: {  	_ =	shalt  }
0x3e: {  	_ =	shalt  }
0x3f: {  	_ =	shalt  }
0x40: {  	_ =	shalt  }
0x41: {  	_ =	shalt  }
0x42: {  	_ =	shalt  }
0x43: {  	_ =	shalt  }
0x44: {  	_ =	shalt  }
0x45: {  	_ =	shalt  }
0x46: {  	_ =	shalt  }
0x47: {  	_ =	shalt  }
0x48: {  	_ =	shalt  }
0x49: {  	_ =	shalt  }
0x4a: {  	_ =	shalt  }
0x4b: {  	_ =	shalt  }
0x4c: {  	_ =	shalt  }
0x4d: {  	_ =	shalt  }
0x4e: {  	_ =	shalt  }
0x4f: {  	_ =	shalt  }
0x50: {  	_ =	shalt  }
0x51: {  	_ =	shalt  }
0x52: {  	_ =	shalt  }
0x53: {  	_ =	shalt  }
0x54: {  	_ =	shalt  }
0x55: {  	_ =	shalt  }
0x56: {  	_ =	shalt  }
0x57: {  	_ =	shalt  }
0x58: {  	_ =	shalt  }
0x59: {  	_ =	shalt  }
0x5a: {  	_ =	shalt  }
0x5b: {  	_ =	shalt  }
0x5c: {  	_ =	shalt  }
0x5d: {  	_ =	shalt  }
0x5e: {  	_ =	shalt  }
0x5f: {  	_ =	shalt  }
0x60: {  	_ =	shalt  }
0x61: {  	_ =	shalt  }
0x62: {  	_ =	shalt  }
0x63: {  	_ =	shalt  }
0x64: {  	_ =	shalt  }
0x65: {  	_ =	shalt  }
0x66: {  	_ =	shalt  }
0x67: {  	_ =	shalt  }
0x68: {  	_ =	shalt  }
0x69: {  	_ =	shalt  }
0x6a: {  	_ =	shalt  }
0x6b: {  	_ =	shalt  }
0x6c: {  	_ =	shalt  }
0x6d: {  	_ =	shalt  }
0x6e: {  	_ =	shalt  }
0x6f: {  	_ =	shalt  }
0x70: {  	_ =	shalt  }
0x71: {  	_ =	shalt  }
0x72: {  	_ =	shalt  }
0x73: {  	_ =	shalt  }
0x74: {  	_ =	shalt  }
0x75: {  	_ =	shalt  }
0x76: {  	_ =	shalt  }
0x77: {  	_ =	shalt  }
0x78: {  	_ =	shalt  }
0x79: {  	_ =	shalt  }
0x7a: {  	_ =	shalt  }
0x7b: {  	_ =	shalt  }
0x7c: {  	_ =	shalt  }
0x7d: {  	_ =	shalt  }
0x7e: {  	_ =	shalt  }
0x7f: {  	_ =	shalt  }
0x80: {  	_ =	shalt  }
0x81: {  	_ =	shalt  }
0x82: {  	_ =	shalt  }
0x83: {  	_ =	shalt  }
0x84: {  	_ =	shalt  }
0x85: {  	_ =	shalt  }
0x86: {  	_ =	shalt  }
0x87: {  	_ =	shalt  }
.Lfunc_end0:
.L_simem_size_0:
called_computation_lowered:
.L_overlay_start_0:
0x88: {  	s2 =	sld [smem:$0x3FD9]  }
0x89: {  	s3 =	sld [smem:$0x3FFE];
	_ =	sdelay $0x1  }
0x8a: {  	s1 =	srdreg.scid  }
0x8b: {  	s0 =	sand.u32 $0x1, s1  }
0x8c: {  	s17 =	sshll.u32 s0, $0xA;
	s2 =	sadd.s32 s3, s2  }
0x8d: {  	s2 =	sadd.s32 s2, s17  }
0x8e: {  	[smem:$0x3FC3] =	sst s2  }
0x8f: {  	_ = 	snop  }
0x90: {  	s2 =	sld [smem:$0x3FD0];
	(tm) =	ssettm $0x1  }
0x91: {  	s18 =	sld [smem:$0x3FFB];
	_ =	sdelay $0x3  }
0x92: {  	_ =	strace s18  }
0x93: {  	s3 =	sld [smem:$0x3FFC];
	_ =	sdelay $0x3  }
0x94: {  	_ =	strace s3  }
0x95: {  	s3 =	sld [smem:$0x3FFD];
	_ =	sdelay $0x3  }
0x96: {  	_ =	strace s3  }
0x97: {  	_ =	strace $0x8FFFFFFF  }
0x98: {  	s19 =	sld [smem:$0x3FDB];
	_ =	sdelay $0x1  }
0x99: {  	s4 =	simm.s32 $_scs_section_size  }
0x9a: {  	s5 =	simm.s32 $_size__tile_overlayer_lowered;
	s6 =	simm.s32 $_tile_overlayer_lowered  }
0x9b: {  	s22 =	simm.s32 $0x1BFF;
	s21 =	sshll.u32 s6, $0x1;
	s3 =	sadd.s32 s4, s19  }
0x9c: {  	s7 =	simm.s32 $0x0;
	s20 =	sshll.u32 s5, $0x1;
	s5 =	sadd.s32 s21, s3  }
0x9d: {  	[timem:s7], [sflag:s22] =	dma.local [hbm:s5], s20  }
0x9e: {  	_ =	swait.ge [sflag:s22], s20  }
0x9f: {  	s4 =	ssub.s32 $0x0, s20;
	[sflag:s22] =	ssyncset.done $0x0  }
0xa0: {  	[sflag:s22] =	ssyncadd.s32 s4;
	_ =	sdelay $0x1  }
0xa1: {  	s23 =	simm.s32 $0x1B8B  }
0xa2: {  	_ =	swait.ge [sflag:s23], $0x1  }
0xa3: {  	[sflag:s23] =	ssyncset.done $0x0  }
0xa4: {  	s25 =	simm.s32 $0x1B8E;
	s24 =	sld [smem:$0x3FFE];
	[sflag:s23] =	ssyncadd.s32 $0xFFFFFFFF  }
0xa5: {  	s26 =	simm.s32 $execute0_lowered;
	[smem:$0x3FD2] =	sst s25  }
0xa6: {  	s5 =	sshll.u32 s26, $0x1;
	_ =	strace $0x80000046;
	[dreg:$0x1] =	wrdreg $0xFFFFFFFF  }
0xa7: {  	s28 =	simm.s32 $_size_execute0_lowered;
	s3 =	sadd.s32 s3, s5;
	[dreg:$0x0] =	wrdreg $0x0  }
0xa8: {  	s5 =	sshll.u32 s28, $0x1;
	[dreg:$0x2] =	wrdreg s3  }
0xa9: {  	[dreg:$0x3] =	wrdreg s5  }
0xaa: {  	[dreg:$0x4] =	wrdreg $0xC0  }
0xab: {  	_ =	task [dreg:s7], $0x5FFFF  }
0xac: {  	[dreg:$0x1] =	wrdreg $0xFFFFFFFF  }
0xad: {  	[dreg:$0x0] =	wrdreg $0x60  }
0xae: {  	[dreg:$0x2] =	wrdreg s24  }
0xaf: {  	[dreg:$0x3] =	wrdreg s2  }
0xb0: {  	[dreg:$0x4] =	wrdreg $0x1E2000  }
0xb1: {  	[dreg:$0x5] =	wrdreg $0x9  }
0xb2: {  	_ =	task.clear_ibuf [dreg:s7], $0x6FFFF;
	_ =	strace $0x90000046  }
0xb3: {  	s29 =	simm.s32 $0x9;
	_ =	strace $0x80000048  }
0xb4: {  	_ =	swait.ge [sflag:s29], $0x1  }
0xb5: {  	[sflag:s29] =	ssyncadd.s32 $0xFFFFFFFF  }
0xb6: {  	_ =	strace $0x90000048  }
0xb7: {  	_ =	sfence  }
0xb8: {  	s30 =	sld [smem:$0x0];
	_ =	sdelay $0x2  }
0xb9: {  	s31 =	sshll.u32 s1, $0xD;
	s1 =	sshrl.u32 s1, $0x2  }
0xba: {  	s3 =	sand.u32 $0x4000, s31;
	s1 =	sadd.s32 s1, s30  }
0xbb: {  	s0 =	sor.u32 s3, s0;
	s1 =	sshll.u32 s1, $0x11  }
0xbc: {  	s0 =	sor.u32 s1, s0  }
0xbd: {  	s0 =	sadd.s32 $0x8F2B, s0  }
0xbe: {  	[sflag:s0] =	ssyncadd.remote.s32 $0x1  }
0xbf: {  	_ =	sfence.sel $0xFFFF  }
0xc0: {  	[dreg:$0x0] =	wrdreg $0xFFFFFFFF;
	(pc) =	sbr.abs _section_cstart, $3  }
0xc1: {  	[dreg:$0x1] =	wrdreg $0xFFFFFFFF  }
0xc2: {  	_ =	task.clear_ibuf [dreg:s7], $0x2FFFF;
	_ =	strace $0x9FFFFFFF  }
0xc3: {  	(tm) =	ssettm $0x7FFFFFFF  }
tec
execute0_lowered:
.L_overlay_start_1:
0x0: {  	(tag) =	ssettag $0x1  }
0x1: {  	s0 =	rddreg [dreg:$0x0]  }
0x2: {  	s2 =	rddreg [dreg:$0x2];
	s3 =	simm.s32 $0x0  }
0x3: {  	s5 =	srdreg.scid;
	[smem:$0x7FF] =	sst s3;
	s18 =	sadd.s32 $0x2DCC00, s0  }
0x4: {  	s19 =	stileid.u32;
	s1 =	sadd.s32 $0x2DFE00, s0;
	s7 =	sadd.s32 $0x24A400, s0  }
0x5: {  	s6 =	sadd.s32 $0x400, s0;
	s4 =	sadd.s32 $0x2E0000, s0;
	s8 =	sadd.s32 $0x2E6400, s0  }
0x6: {  	s5 =	sand.u32 $0x1, s5;
	s10 =	sshll.u32 s19, $0x1;
	s13 =	smul.u32 $0x1900, s19  }
0x7: {  	p1 =	sne.s32 s19, $0x0;
	_ =	strace $0x80000047;
	[dreg:$0x5] =	wrdreg s1  }
0x8: {  	s1 =	sadd.s32 $0x2ECA00, s0;
	s0 =	sadd.s32 $0x2EC800, s0;
	s9 =	ssub.s32 $0x2, s5  }
0x9: {  	s10 =	sor.u32 s5, s10;
	s15 =	sshll.u32 s5, $0x1;
	s17 =	smul.u32 $0x19000, s5  }
0xa: {  	p0 =	seq.s32 s5, $0x0;
	[dreg:$0x4] =	wrdreg s18;
	s11 =	sshrl.u32 s9, $0x1  }
0xb: {  	s21 =	sadd.s32 s0, s15;
	s12 =	smul.u32 $0xC350, s10;
	s15 =	sxor.u32 $0x2, s15  }
0xc: {  	s30 =	sshrl.u32 s13, $0x3;
	s14 =	ssub.s32 s9, s11;
	s9 =	smul.u32 $0x30D40, s10  }
0xd: {  	[dreg:$0x6] =	wrdreg s21;
	s11 =	sadd.s32 s13, s2;
	s31 =	sadd.s32 s18, s30  }
0xe: {  	s10 =	sadd.s32 $0xC80, s13;
	s5 =	sadd.s32 s4, s30;
	[dreg:$0xe] =	wrdreg s31  }
0xf: {  	s24 =	sadd.s32 s13, s17;
	s14 =	smax.u32 s14, $0x1;
	[dreg:$0xd] =	wrdreg s5  }
0x10: {  	s23 =	sadd.s32 s17, s10;
	s19 =	sadd.s32 $0xFA0, s11;
	[dreg:$0x14] =	wrdreg s14  }
0x11: {  	s17 =	sshrl.u32 s17, $0x3;
	s31 =	sadd.s32 $0x3390, s5;
	[dreg:$0x18] =	wrdreg s19  }
0x12: {  	s15 =	sadd.s32 s0, s15;
	s25 =	sadd.s32 s8, s17;
	[smem:$0x7FD] =	sst s31  }
0x13: {  	s22 =	sshrl.u32 s12, $0x3;
	s17 =	sadd.s32 $0x640, s11;
	[dreg:$0xa] =	wrdreg s25  }
0x14: {  	s21 =	sadd.s32 s7, s22;
	s22 =	sadd.s32 $0x12C0, s11;
	[dreg:$0x16] =	wrdreg s17  }
0x15: {  	s0 =	sshrl.u32 s23, $0x3;
	s23 =	sadd.s32 $0x15E0, s11;
	[dreg:$0x19] =	wrdreg s22  }
0x16: {  	s28 =	simm.s32 $0x4;
	s13 =	sshrl.u32 s10, $0x3;
	[dreg:$0x1a] =	wrdreg s23  }
0x17: {  	s16 =	sshrl.u32 s9, $0x3;
	s0 =	sadd.s32 s8, s0;
	[dreg:$0x8] =	wrdreg s21  }
0x18: {  	s20 =	sadd.s32 s6, s16;
	s16 =	sshrl.u32 s24, $0x3;
	[dreg:$0x9] =	wrdreg s0  }
0x19: {  	s14 =	simm.s32 $0x1B700;
	s26 =	sadd.s32 s8, s16;
	[dreg:$0x7] =	wrdreg s20  }
0x1a: {  	s19 =	simm.s32 $0x18F00;
	s29 =	sadd.s32 s4, s16;
	[dreg:$0xb] =	wrdreg s26  }
0x1b: {  	s22 =	simm.s32 $0x19F00;
	s0 =	sadd.s32 s1, s30;
	[dreg:$0xc] =	wrdreg s29  }
0x1c: {  	s17 =	simm.s32 $0x1E100;
	s8 =	sadd.s32 s10, s2;
	[dreg:$0xf] =	wrdreg s0  }
0x1d: {  	s4 =	sadd.s32 s4, s13;
	s1 =	sadd.s32 s1, s13;
	[dreg:$0x10] =	wrdreg s8  }
0x1e: {  	s16 =	sadd.s32 $0x320, s11;
	s24 =	sadd.s32 $0xC3500, s20;
	[dreg:$0x11] =	wrdreg s4  }
0x1f: {  	s25 =	sadd.s32 $0x186A00, s20;
	s30 =	sadd.s32 $0x3200, s5;
	[dreg:$0x12] =	wrdreg s1  }
0x20: {  	s20 =	simm.s32 $0x1A700;
	s5 =	simm.s32 $0x7D0;
	[dreg:$0x15] =	wrdreg s16  }
0x21: {  	s0 =	sadd.s32 s18, s13;
	s18 =	sadd.s32 $0x960, s11;
	[dreg:$0x1b] =	wrdreg s24  }
0x22: {  	[dreg:$0x1c] =	wrdreg s25;
	s26 =	sadd.s32 $0x30D40, s21;
	s29 =	sadd.s32 $0x61A80, s21  }
.Ltmp0:
0x23: {  	[dreg:$0x1f] =	wrdreg s30;
	s21 =	simm.s32 $0x19700;
	(pc) =	sbr.rel .LBB2_1-.Ltmp0, $4  }
0x24: {  	s24 =	simm.s32 $0x1AF00;
	s4 =	simm.s32 $0x2;
	[dreg:$0x13] =	wrdreg s0  }
0x25: {  	s8 =	simm.s32 $0x1BF00;
	s13 =	simm.s32 $0x1C700;
	[dreg:$0x17] =	wrdreg s18  }
0x26: {  	s16 =	simm.s32 $0x1D380;
	s1 =	simm.s32 $0x0;
	[dreg:$0x1d] =	wrdreg s26  }
0x27: {  	v0 =	vimm.f32 $0.0e+00;
	[dreg:$0x1e] =	wrdreg s29;
	s18 =	simm.s32 $0x18700;
	s26 =	simm.s32 $0x1  }
.LBB2_31:
0x28: {  	s0 =	rddreg [dreg:$0x12]  }
0x29: {  	[hbm4b:s0+s3] =	stream.linear.scatter [tilespmem:s13], [sflag:$0x4], $0xC80, $0x38;
	[tilespmem:$0x1FB00] =	vst v63  }
0x2a: {  	_ =	swait.ge [sflag:s28], $0xC80  }
0x2b: {  	[sflag:s28] =	ssyncset.done $0x0  }
0x2c: {  	[sflag:s28] =	ssyncadd.s32 $0xFFFFF380  }
0x2d: {  	[bflag:$0x0] =	sbarrier.arrive $0xFFFF  }
.LBB2_33:
0x2e: {  	s1 =	sld [smem:$0x7FC];
	_ =	sdelay $0x2  }
0x2f: {  	s0 =	rddreg [dreg:$0x14];
	s1 =	sadd.s32 $0x1, s1  }
0x30: {  	p2 =	sne.s32 s1, s0  }
.Ltmp1:
0x31: {  	_ = 	snop;
	(pc) =	sbr.rel @!p2 .LBB2_34-.Ltmp1, $1  }
0x32: {  	_ =	sdelay $0x3  }
.LBB2_1:
0x33: {  	[smem:$0x7FC] =	sst s1;
	v1 =	vimm.s32 @!p1 $0x0  }
0x34: {  	s0 =	simm.s32 @!p1 $0x0;
	s1 =	simm.s32 @!p1 $0x1E180;
	s10 =	rddreg [dreg:$0x6];
	[tilespmem:$0x1E180] =	vst @!p1 v1  }
0x35: {  	[hbm4b:s10+s0] =	stream.linear.scatter @!p1 [tilespmem:s1], [sflag:$0x3], $0x10, $0x38;
	[tilespmem:$0x1FB00] =	vst v63  }
0x36: {  	s0 =	simm.s32 @!p1 $0x3  }
0x37: {  	_ =	swait.ge @!p1 [sflag:s0], $0x10  }
0x38: {  	[sflag:s0] =	ssyncset.done @!p1 $0x0  }
0x39: {  	s1 =	simm.s32 $0x0;
	[sflag:s0] =	ssyncadd.s32 @!p1 $0xFFFFFFF0;
	s0 =	simm.s32 $0x40  }
.LBB2_2:
0x3a: {  	p2 =	sne.s32 s0, $0xC40;
	[tilespmem:s1+$0x1B700] =	vst v0;
	s1 =	smov.u32 s0;
	s0 =	sadd.s32 $0x40, s0  }
.Ltmp2:
0x3b: {  	(pc) =	sbr.rel @p2 .LBB2_2-.Ltmp2, $2  }
0x3c: {  	_ =	sdelay $0x2  }
0x3d: {  	s1 =	sshra.s32 s1, $0x2  }
0x3e: {  	[tilespmem:s1+$0x1B700] =	vst v0;
	s1 =	simm.s32 $0x3  }
0x3f: {  	[spmem:s11] =	stream.linear.scatter [tilespmem:s14], [sflag:$0x3], $0x320, $0x38;
	[tilespmem:$0x1FB00] =	vst v63  }
0x40: {  	_ =	swait.ge [sflag:s1], $0x320  }
0x41: {  	[sflag:s1] =	ssyncset.done $0x0  }
0x42: {  	s0 =	rddreg [dreg:$0x15];
	[sflag:s1] =	ssyncadd.s32 $0xFFFFFCE0  }
0x43: {  	[spmem:s0] =	stream.linear.scatter [tilespmem:s14], [sflag:$0x3], $0x320, $0x38;
	[tilespmem:$0x1FB00] =	vst v63  }
0x44: {  	_ =	swait.ge [sflag:s1], $0x320  }
0x45: {  	[sflag:s1] =	ssyncset.done $0x0  }
0x46: {  	s25 =	rddreg [dreg:$0x16];
	[sflag:s1] =	ssyncadd.s32 $0xFFFFFCE0  }
0x47: {  	[spmem:s25] =	stream.linear.scatter [tilespmem:s14], [sflag:$0x3], $0x320, $0x38;
	[tilespmem:$0x1FB00] =	vst v63  }
0x48: {  	_ =	swait.ge [sflag:s1], $0x320  }
0x49: {  	[sflag:s1] =	ssyncset.done $0x0  }
0x4a: {  	s29 =	rddreg [dreg:$0x17];
	[sflag:s1] =	ssyncadd.s32 $0xFFFFFCE0  }
0x4b: {  	[spmem:s29] =	stream.linear.scatter [tilespmem:s14], [sflag:$0x3], $0x320, $0x38;
	[tilespmem:$0x1FB00] =	vst v63  }
0x4c: {  	_ =	swait.ge [sflag:s1], $0x320  }
0x4d: {  	[sflag:s1] =	ssyncset.done $0x0  }
0x4e: {  	s30 =	rddreg [dreg:$0x10];
	[sflag:s1] =	ssyncadd.s32 $0xFFFFFCE0  }
0x4f: {  	[spmem:s30] =	stream.linear.scatter [tilespmem:s14], [sflag:$0x3], $0x320, $0x38;
	[tilespmem:$0x1FB00] =	vst v63  }
0x50: {  	_ =	swait.ge [sflag:s1], $0x320  }
0x51: {  	[sflag:s1] =	ssyncset.done $0x0  }
0x52: {  	s31 =	rddreg [dreg:$0x18];
	[sflag:s1] =	ssyncadd.s32 $0xFFFFFCE0  }
0x53: {  	[spmem:s31] =	stream.linear.scatter [tilespmem:s14], [sflag:$0x3], $0x320, $0x38;
	[tilespmem:$0x1FB00] =	vst v63  }
0x54: {  	_ =	swait.ge [sflag:s1], $0x320  }
0x55: {  	[sflag:s1] =	ssyncset.done $0x0  }
0x56: {  	s10 =	rddreg [dreg:$0x19];
	[sflag:s1] =	ssyncadd.s32 $0xFFFFFCE0  }
0x57: {  	[spmem:s10] =	stream.linear.scatter [tilespmem:s14], [sflag:$0x3], $0x320, $0x38;
	[tilespmem:$0x1FB00] =	vst v63  }
0x58: {  	_ =	swait.ge [sflag:s1], $0x320  }
0x59: {  	[sflag:s1] =	ssyncset.done $0x0  }
0x5a: {  	s23 =	rddreg [dreg:$0x1a];
	[sflag:s1] =	ssyncadd.s32 $0xFFFFFCE0  }
0x5b: {  	[spmem:s23] =	stream.linear.scatter [tilespmem:s14], [sflag:$0x3], $0x320, $0x38;
	[tilespmem:$0x1FB00] =	vst v63  }
0x5c: {  	_ =	swait.ge [sflag:s1], $0x320  }
0x5d: {  	[sflag:s1] =	ssyncset.done $0x0  }
0x5e: {  	s10 =	simm.s32 $0x0;
	s25 =	rddreg [dreg:$0x4];
	[sflag:s1] =	ssyncadd.s32 $0xFFFFFCE0  }
0x5f: {  	[tilespmem:s10], [sflag:$0x3] =	stream.linear.gather [hbm4b:s25+s10], $0x186A0, $0x38;
	[tilespmem:$0x1FB00] =	vst v63  }
0x60: {  	_ =	swait.ge [sflag:s1], $0x186A0  }
0x61: {  	[sflag:s1] =	ssyncset.done $0x0  }
0x62: {  	[sflag:s1] =	ssyncadd.s32 $0xFFFE7960  }
0x63: {  	s23 =	simm.s32 $0x1E000;
	s29 =	rddreg [dreg:$0x1]  }
0x64: {  	[tilespmem:s23], [sflag:$0x3] =	stream.linear.gather [hbm4b:s29+s10], $0x80, $0x38;
	[tilespmem:$0x1FB00] =	vst v63  }
0x65: {  	_ =	swait.ge [sflag:s1], $0x80  }
0x66: {  	[sflag:s1] =	ssyncset.done $0x0  }
0x67: {  	s31 =	simm.s32 $0x1E080;
	s30 =	rddreg [dreg:$0x5];
	[sflag:s1] =	ssyncadd.s32 $0xFFFFFF80  }
0x68: {  	[tilespmem:s31], [sflag:$0x3] =	stream.linear.gather [hbm4b:s30+s10], $0x80, $0x38;
	[tilespmem:$0x1FB00] =	vst v63  }
0x69: {  	_ =	swait.ge [sflag:s1], $0x80  }
0x6a: {  	[sflag:s1] =	ssyncset.done $0x0  }
0x6b: {  	[sflag:s1] =	ssyncadd.s32 $0xFFFFFF80  }
0x6c: {  	v1 =	vld [tilespmem:$0x1E000]  }
0x6d: {  	v2 =	vld [tilespmem:$0x1E080];
	_ =	sdelay $0x2  }
0x6e: {  	s23 =	simm.s32 $0x0;
	[bflag:$0x0] =	sbarrier.arrive $0xFFFF  }
.LBB2_4:
0x6f: {  	s0 =	rddreg [dreg:$0x7]  }
0x70: {  	[tilespmem:s18], [sflag:$0x1] =	stream.linear.gather [hbm4b:s0+s10], $0x7D0, $0x38;
	[tilespmem:$0x1FB00] =	vst v63  }
0x71: {  	s30 =	rddreg [dreg:$0x1b]  }
0x72: {  	[tilespmem:s19], [sflag:$0x1] =	stream.linear.gather [hbm4b:s30+s10], $0x7D0, $0x38;
	[tilespmem:$0x1FB00] =	vst v63  }
0x73: {  	s31 =	rddreg [dreg:$0x1c];
	s29 =	simm.s32 $0x0  }
0x74: {  	[tilespmem:s21], [sflag:$0x1] =	stream.linear.gather [hbm4b:s31+s10], $0x7D0, $0x38;
	[tilespmem:$0x1FB00] =	vst v63  }
.LBB2_5:
0x75: {  	s0 =	smul.u32 $0xFA0, s29;
	_ =	sdelay $0x1  }
0x76: {  	s30 =	sadd.s32 s9, s0  }
0x77: {  	s0 =	sshrl.u32 s30, $0x3  }
0x78: {  	s0 =	sadd.s32 s6, s0  }
0x79: {  	s1 =	sadd.s32 $0xFA, s0  }
0x7a: {  	[tilespmem:s22], [sflag:$0x2] =	stream.linear.gather [hbm4b:s1+s3], $0x7D0, $0x38;
	[tilespmem:$0x1FB00] =	vst v63  }
0x7b: {  	s25 =	sadd.s32 $0xC35FA, s0  }
0x7c: {  	[tilespmem:s20], [sflag:$0x2] =	stream.linear.gather [hbm4b:s25+s3], $0x7D0, $0x38;
	[tilespmem:$0x1FB00] =	vst v63  }
0x7d: {  	s0 =	sadd.s32 $0x186AFA, s0  }
0x7e: {  	[tilespmem:s24], [sflag:$0x2] =	stream.linear.gather [hbm4b:s0+s3], $0x7D0, $0x38;
	[tilespmem:$0x1FB00] =	vst v63  }
0x7f: {  	_ =	swait.ge [sflag:s26], $0x7D0  }
0x80: {  	[sflag:s26] =	ssyncset.done $0x0  }
0x81: {  	[sflag:s26] =	ssyncadd.s32 $0xFFFFF830  }
0x82: {  	_ =	swait.ge [sflag:s26], $0x7D0  }
0x83: {  	[sflag:s26] =	ssyncset.done $0x0  }
0x84: {  	[sflag:s26] =	ssyncadd.s32 $0xFFFFF830  }
0x85: {  	_ =	swait.ge [sflag:s26], $0x7D0  }
0x86: {  	[sflag:s26] =	ssyncset.done $0x0  }
0x87: {  	s0 =	simm.s32 $0x18F20;
	[sflag:s26] =	ssyncadd.s32 $0xFFFFF830  }
0x88: {  	s25 =	simm.s32 $0x19720;
	v3 =	vld [tilespmem:s0+$0x10]  }
0x89: {  	v4 =	vld [tilespmem:s25+$0x10]  }
0x8a: {  	v5 =	vld [tilespmem:s25+$0xFFFFFFE0]  }
0x8b: {  	v6 =	vld [tilespmem:s0+$0xFFFFFFF0]  }
0x8c: {  	v7 =	vld [tilespmem:s25+$0xFFFFFFF0]  }
0x8d: {  	v8 =	vld [tilespmem:s0+$0x0]  }
0x8e: {  	v9 =	vld [tilespmem:s25+$0x0]  }
0x8f: {  	s31 =	simm.s32 $0x19760;
	v10 =	vld [tilespmem:s0+$0xFFFFFFE0]  }
0x90: {  	v12 =	vld [tilespmem:s31+$0x10]  }
0x91: {  	v13 =	vld [tilespmem:s31+$0xFFFFFFE0]  }
0x92: {  	v15 =	vld [tilespmem:s31+$0xFFFFFFF0]  }
0x93: {  	s25 =	simm.s32 $0x18F60;
	v17 =	vld [tilespmem:s31+$0x0]  }
0x94: {  	v11 =	vld [tilespmem:s25+$0x10]  }
0x95: {  	v14 =	vld [tilespmem:s25+$0xFFFFFFF0]  }
0x96: {  	v16 =	vld [tilespmem:s25+$0x0]  }
0x97: {  	v3 =	vld.idx.msk [tilespmem:v3+s3+$0x0], $0xffff  }
0x98: {  	v4 =	vld.idx.msk [tilespmem:v4+s3+$0x0], $0xffff  }
0x99: {  	v5 =	vld.idx.msk [tilespmem:v5+s3+$0x0], $0xffff  }
0x9a: {  	v6 =	vld.idx.msk [tilespmem:v6+s3+$0x0], $0xffff  }
0x9b: {  	v7 =	vld.idx.msk [tilespmem:v7+s3+$0x0], $0xffff  }
0x9c: {  	v8 =	vld.idx.msk [tilespmem:v8+s3+$0x0], $0xffff  }
0x9d: {  	v9 =	vld.idx.msk [tilespmem:v9+s3+$0x0], $0xffff  }
0x9e: {  	v10 =	vld.idx.msk [tilespmem:v10+s3+$0x0], $0xffff  }
0x9f: {  	v18 =	vld [tilespmem:s25+$0xFFFFFFE0]  }
0xa0: {  	v12 =	vld.idx.msk [tilespmem:v12+s3+$0x0], $0xffff;
	v3 =	vmul.f32 v4, v3  }
0xa1: {  	v11 =	vld.idx.msk [tilespmem:v11+s3+$0x0], $0xffff;
	v4 =	vmul.f32 v7, v6  }
0xa2: {  	v6 =	vmul.f32 v9, v8;
	v8 =	vld.idx.msk [tilespmem:v15+s3+$0x0], $0xffff;
	v7 =	vmul.f32 v3, v1  }
0xa3: {  	s0 =	simm.s32 $0x1B720;
	v5 =	vmul.f32 v5, v10;
	v3 =	vld.idx.msk [tilespmem:v13+s3+$0x0], $0xffff;
	v9 =	vmul.f32 v4, v1  }
0xa4: {  	v4 =	vld.idx.msk [tilespmem:v14+s3+$0x0], $0xffff;
	v6 =	vmul.f32 v6, v1;
	[tilespmem:s0+$0x10] =	vst v7  }
0xa5: {  	[tilespmem:s0+$0xFFFFFFF0] =	vst v9;
	v9 =	vmul.f32 v5, v1;
	v5 =	vld.idx.msk [tilespmem:v16+s3+$0x0], $0xffff  }
0xa6: {  	[tilespmem:s0+$0x0] =	vst v6;
	v7 =	vld.idx.msk [tilespmem:v17+s3+$0x0], $0xffff  }
0xa7: {  	s1 =	simm.s32 $0x4;
	s25 =	simm.s32 $0x18FA0;
	v6 =	vld.idx.msk [tilespmem:v18+s3+$0x0], $0xffff;
	[tilespmem:s0+$0xFFFFFFE0] =	vst v9;
	v9 =	vmul.f32 v12, v11  }
.LBB2_6:
0xa8: {  	v10 =	vld [tilespmem:s25+$0x10];
	s31 =	sadd.s32 $0x40, s31  }
0xa9: {  	s1 =	sadd.s32 $0x4, s1;
	v11 =	vld [tilespmem:s31+$0x10];
	v9 =	vmul.f32 v9, v1  }
0xaa: {  	s0 =	sadd.s32 $0x40, s0;
	p2 =	slt.u32 s1, $0x78;
	v4 =	vmul.f32 v8, v4;
	v12 =	vld [tilespmem:s31+$0xFFFFFFE0]  }
0xab: {  	v8 =	vld [tilespmem:s25+$0xFFFFFFF0];
	[tilespmem:s0+$0x10] =	vst v9  }
0xac: {  	v4 =	vmul.f32 v4, v1;
	v5 =	vmul.f32 v7, v5;
	v9 =	vld [tilespmem:s31+$0xFFFFFFF0]  }
0xad: {  	v3 =	vmul.f32 v3, v6;
	v7 =	vld [tilespmem:s25+$0x0]  }
0xae: {  	v6 =	vld [tilespmem:s31+$0x0];
	[tilespmem:s0+$0xFFFFFFF0] =	vst v4;
	v4 =	vmul.f32 v5, v1  }
0xaf: {  	v3 =	vmul.f32 v3, v1;
	v13 =	vld [tilespmem:s25+$0xFFFFFFE0]  }
0xb0: {  	v10 =	vld.idx.msk [tilespmem:v10+s3+$0x0], $0xffff;
	[tilespmem:s0+$0x0] =	vst v4  }
0xb1: {  	v11 =	vld.idx.msk [tilespmem:v11+s3+$0x0], $0xffff;
	[tilespmem:s0+$0xFFFFFFE0] =	vst v3  }
0xb2: {  	v3 =	vld.idx.msk [tilespmem:v12+s3+$0x0], $0xffff  }
.Ltmp3:
0xb3: {  	v4 =	vld.idx.msk [tilespmem:v8+s3+$0x0], $0xffff;
	(pc) =	sbr.rel @p2 .LBB2_6-.Ltmp3, $4  }
0xb4: {  	v8 =	vld.idx.msk [tilespmem:v9+s3+$0x0], $0xffff  }
0xb5: {  	v5 =	vld.idx.msk [tilespmem:v7+s3+$0x0], $0xffff  }
0xb6: {  	v7 =	vld.idx.msk [tilespmem:v6+s3+$0x0], $0xffff  }
0xb7: {  	s25 =	sadd.s32 $0x40, s25;
	v9 =	vmul.f32 v11, v10;
	v6 =	vld.idx.msk [tilespmem:v13+s3+$0x0], $0xffff  }
0xb8: {  	_ =	sdelay $0x1  }
0xb9: {  	v4 =	vmul.f32 v8, v4  }
0xba: {  	v8 =	vmul.f32 v9, v1;
	v5 =	vmul.f32 v7, v5  }
0xbb: {  	s0 =	sadd.s32 $0x40, s0;
	v4 =	vmul.f32 v4, v1;
	v3 =	vmul.f32 v3, v6  }
0xbc: {  	[tilespmem:s0+$0x10] =	vst v8;
	v5 =	vmul.f32 v5, v1  }
0xbd: {  	[tilespmem:s0+$0xFFFFFFF0] =	vst v4;
	v3 =	vmul.f32 v3, v1  }
0xbe: {  	[tilespmem:s0+$0x0] =	vst v5  }
0xbf: {  	[tilespmem:s0+$0xFFFFFFE0] =	vst v3  }
0xc0: {  	v3 =	vld [tilespmem:$0x196C0]  }
0xc1: {  	v4 =	vld [tilespmem:$0x19EC0];
	_ =	sdelay $0x6  }
0xc2: {  	v3 =	vld.idx.msk [tilespmem:v3+s3+$0x0], $0xffff  }
0xc3: {  	v4 =	vld.idx.msk [tilespmem:v4+s3+$0x0], $0xffff;
	_ =	sdelay $0x4  }
0xc4: {  	v3 =	vmul.f32 v4, v3;
	_ =	sdelay $0x1  }
0xc5: {  	v3 =	vmul.f32 v3, v1;
	_ =	sdelay $0x1  }
0xc6: {  	p2 =	seq.s32 s29, $0x31;
	[tilespmem:$0x1BEC0] =	vst v3  }
0xc7: {  	[spmem:s2] =	stream.indirect.scatter.add.f32 [tilespmem:s14], [sflag:$0x4], $0x1, s18, s5, $0xb8;
	[tilespmem:$0x1FB00] =	vst v63  }
0xc8: {  	s0 =	sshrl.u32 @!p2 s30, $0x3;
	_ =	swait.ge [sflag:s28], $0x7D0  }
0xc9: {  	s25 =	simm.s32 @!p2 $0x0;
	s0 =	sadd.s32 @!p2 s6, s0;
	[sflag:s28] =	ssyncset.done $0x0  }
0xca: {  	s30 =	simm.s32 @!p2 $0x18700;
	s1 =	sadd.s32 @!p2 $0x1F4, s0;
	[sflag:s28] =	ssyncadd.s32 $0xFFFFF830  }
0xcb: {  	[tilespmem:s30], [sflag:$0x1] =	stream.linear.gather @!p2 [hbm4b:s1+s25], $0x7D0, $0x38;
	[tilespmem:$0x1FB00] =	vst v63  }
0xcc: {  	s1 =	sadd.s32 @!p2 $0xC36F4, s0;
	s30 =	simm.s32 @!p2 $0x18F00  }
0xcd: {  	[tilespmem:s30], [sflag:$0x1] =	stream.linear.gather @!p2 [hbm4b:s1+s25], $0x7D0, $0x38;
	[tilespmem:$0x1FB00] =	vst v63  }
0xce: {  	s0 =	sadd.s32 @!p2 $0x186BF4, s0;
	s1 =	simm.s32 @!p2 $0x19700  }
0xcf: {  	[tilespmem:s1], [sflag:$0x1] =	stream.linear.gather @!p2 [hbm4b:s0+s25], $0x7D0, $0x38;
	[tilespmem:$0x1FB00] =	vst v63  }
0xd0: {  	_ =	swait.ge [sflag:s4], $0x7D0  }
0xd1: {  	[sflag:s4] =	ssyncset.done $0x0  }
0xd2: {  	[sflag:s4] =	ssyncadd.s32 $0xFFFFF830  }
0xd3: {  	_ =	swait.ge [sflag:s4], $0x7D0  }
0xd4: {  	[sflag:s4] =	ssyncset.done $0x0  }
0xd5: {  	[sflag:s4] =	ssyncadd.s32 $0xFFFFF830  }
0xd6: {  	_ =	swait.ge [sflag:s4], $0x7D0  }
0xd7: {  	[sflag:s4] =	ssyncset.done $0x0  }
0xd8: {  	s31 =	simm.s32 $0x1A720;
	[sflag:s4] =	ssyncadd.s32 $0xFFFFF830  }
0xd9: {  	s25 =	simm.s32 $0x1AF20;
	v3 =	vld [tilespmem:s31+$0x10]  }
0xda: {  	v4 =	vld [tilespmem:s25+$0x10]  }
0xdb: {  	v5 =	vld [tilespmem:s25+$0xFFFFFFE0]  }
0xdc: {  	v6 =	vld [tilespmem:s31+$0xFFFFFFF0]  }
0xdd: {  	v7 =	vld [tilespmem:s25+$0xFFFFFFF0]  }
0xde: {  	v8 =	vld [tilespmem:s31+$0x0]  }
0xdf: {  	v9 =	vld [tilespmem:s25+$0x0]  }
0xe0: {  	s30 =	simm.s32 $0x1AF60;
	v10 =	vld [tilespmem:s31+$0xFFFFFFE0]  }
0xe1: {  	v12 =	vld [tilespmem:s30+$0x10]  }
0xe2: {  	v13 =	vld [tilespmem:s30+$0xFFFFFFE0]  }
0xe3: {  	v15 =	vld [tilespmem:s30+$0xFFFFFFF0]  }
0xe4: {  	s31 =	simm.s32 $0x1A760;
	v17 =	vld [tilespmem:s30+$0x0]  }
0xe5: {  	v11 =	vld [tilespmem:s31+$0x10]  }
0xe6: {  	v14 =	vld [tilespmem:s31+$0xFFFFFFF0]  }
0xe7: {  	v16 =	vld [tilespmem:s31+$0x0]  }
0xe8: {  	v3 =	vld.idx.msk [tilespmem:v3+s3+$0x0], $0xffff  }
0xe9: {  	v4 =	vld.idx.msk [tilespmem:v4+s3+$0x0], $0xffff  }
0xea: {  	v5 =	vld.idx.msk [tilespmem:v5+s3+$0x0], $0xffff  }
0xeb: {  	v6 =	vld.idx.msk [tilespmem:v6+s3+$0x0], $0xffff  }
0xec: {  	v7 =	vld.idx.msk [tilespmem:v7+s3+$0x0], $0xffff  }
0xed: {  	v8 =	vld.idx.msk [tilespmem:v8+s3+$0x0], $0xffff  }
0xee: {  	v9 =	vld.idx.msk [tilespmem:v9+s3+$0x0], $0xffff  }
0xef: {  	v10 =	vld.idx.msk [tilespmem:v10+s3+$0x0], $0xffff  }
0xf0: {  	v18 =	vld [tilespmem:s31+$0xFFFFFFE0]  }
0xf1: {  	v12 =	vld.idx.msk [tilespmem:v12+s3+$0x0], $0xffff;
	v3 =	vmul.f32 v4, v3  }
0xf2: {  	v11 =	vld.idx.msk [tilespmem:v11+s3+$0x0], $0xffff;
	v4 =	vmul.f32 v7, v6  }
0xf3: {  	v6 =	vmul.f32 v9, v8;
	v8 =	vld.idx.msk [tilespmem:v15+s3+$0x0], $0xffff;
	v7 =	vmul.f32 v3, v1  }
0xf4: {  	s0 =	simm.s32 $0x1BF20;
	v5 =	vmul.f32 v5, v10;
	v3 =	vld.idx.msk [tilespmem:v13+s3+$0x0], $0xffff;
	v9 =	vmul.f32 v4, v1  }
0xf5: {  	v4 =	vld.idx.msk [tilespmem:v14+s3+$0x0], $0xffff;
	v6 =	vmul.f32 v6, v1;
	[tilespmem:s0+$0x10] =	vst v7  }
0xf6: {  	[tilespmem:s0+$0xFFFFFFF0] =	vst v9;
	v9 =	vmul.f32 v5, v1;
	v5 =	vld.idx.msk [tilespmem:v16+s3+$0x0], $0xffff  }
0xf7: {  	[tilespmem:s0+$0x0] =	vst v6;
	v7 =	vld.idx.msk [tilespmem:v17+s3+$0x0], $0xffff  }
0xf8: {  	s1 =	simm.s32 $0x4;
	s25 =	simm.s32 $0x1A7A0;
	v6 =	vld.idx.msk [tilespmem:v18+s3+$0x0], $0xffff;
	[tilespmem:s0+$0xFFFFFFE0] =	vst v9;
	v9 =	vmul.f32 v12, v11  }
.LBB2_8:
0xf9: {  	v10 =	vld [tilespmem:s25+$0x10];
	s30 =	sadd.s32 $0x40, s30  }
0xfa: {  	s1 =	sadd.s32 $0x4, s1;
	v11 =	vld [tilespmem:s30+$0x10];
	v9 =	vmul.f32 v9, v1  }
0xfb: {  	s0 =	sadd.s32 $0x40, s0;
	p2 =	slt.u32 s1, $0x78;
	v4 =	vmul.f32 v8, v4;
	v12 =	vld [tilespmem:s30+$0xFFFFFFE0]  }
0xfc: {  	v8 =	vld [tilespmem:s25+$0xFFFFFFF0];
	[tilespmem:s0+$0x10] =	vst v9  }
0xfd: {  	v4 =	vmul.f32 v4, v1;
	v5 =	vmul.f32 v7, v5;
	v9 =	vld [tilespmem:s30+$0xFFFFFFF0]  }
0xfe: {  	v3 =	vmul.f32 v3, v6;
	v7 =	vld [tilespmem:s25+$0x0]  }
0xff: {  	v6 =	vld [tilespmem:s30+$0x0];
	[tilespmem:s0+$0xFFFFFFF0] =	vst v4;
	v4 =	vmul.f32 v5, v1  }
0x100: {  	v3 =	vmul.f32 v3, v1;
	v13 =	vld [tilespmem:s25+$0xFFFFFFE0]  }
0x101: {  	v10 =	vld.idx.msk [tilespmem:v10+s3+$0x0], $0xffff;
	[tilespmem:s0+$0x0] =	vst v4  }
0x102: {  	v11 =	vld.idx.msk [tilespmem:v11+s3+$0x0], $0xffff;
	[tilespmem:s0+$0xFFFFFFE0] =	vst v3  }
0x103: {  	v3 =	vld.idx.msk [tilespmem:v12+s3+$0x0], $0xffff  }
.Ltmp4:
0x104: {  	v4 =	vld.idx.msk [tilespmem:v8+s3+$0x0], $0xffff;
	(pc) =	sbr.rel @p2 .LBB2_8-.Ltmp4, $4  }
0x105: {  	v8 =	vld.idx.msk [tilespmem:v9+s3+$0x0], $0xffff  }
0x106: {  	v5 =	vld.idx.msk [tilespmem:v7+s3+$0x0], $0xffff  }
0x107: {  	v7 =	vld.idx.msk [tilespmem:v6+s3+$0x0], $0xffff  }
0x108: {  	s25 =	sadd.s32 $0x40, s25;
	v9 =	vmul.f32 v11, v10;
	v6 =	vld.idx.msk [tilespmem:v13+s3+$0x0], $0xffff  }
0x109: {  	_ =	sdelay $0x1  }
0x10a: {  	v4 =	vmul.f32 v8, v4  }
0x10b: {  	v63 =	vmul.f32 v9, v1;
	v5 =	vmul.f32 v7, v5  }
0x10c: {  	s0 =	sadd.s32 $0x40, s0;
	v4 =	vmul.f32 v4, v1;
	v3 =	vmul.f32 v3, v6  }
0x10d: {  	[tilespmem:s0+$0x10] =	vst v63;
	v5 =	vmul.f32 v5, v1  }
0x10e: {  	[tilespmem:s0+$0xFFFFFFF0] =	vst v4;
	v3 =	vmul.f32 v3, v1  }
0x10f: {  	[tilespmem:s0+$0x0] =	vst v5  }
0x110: {  	[tilespmem:s0+$0xFFFFFFE0] =	vst v3  }
0x111: {  	v3 =	vld [tilespmem:$0x1AEC0]  }
0x112: {  	v4 =	vld [tilespmem:$0x1B6C0];
	_ =	sdelay $0x6  }
0x113: {  	v3 =	vld.idx.msk [tilespmem:v3+s3+$0x0], $0xffff  }
0x114: {  	v4 =	vld.idx.msk [tilespmem:v4+s3+$0x0], $0xffff;
	_ =	sdelay $0x4  }
0x115: {  	v3 =	vmul.f32 v4, v3;
	_ =	sdelay $0x1  }
0x116: {  	s29 =	sadd.s32 $0x1, s29;
	v3 =	vmul.f32 v3, v1  }
0x117: {  	p2 =	sne.s32 s29, $0x32  }
.Ltmp5:
0x118: {  	[tilespmem:$0x1C6C0] =	vst v3;
	(pc) =	sbr.rel @p2 .LBB2_5-.Ltmp5, $4  }
0x119: {  	[spmem:s2] =	stream.indirect.scatter.add.f32 [tilespmem:s8], [sflag:$0x4], $0x1, s22, s5, $0xb8;
	[tilespmem:$0x1FB00] =	vst v63  }
0x11a: {  	_ =	swait.ge [sflag:s28], $0x7D0  }
0x11b: {  	[sflag:s28] =	ssyncset.done $0x0  }
0x11c: {  	[sflag:s28] =	ssyncadd.s32 $0xFFFFF830  }
0x11d: {  	s29 =	simm.s32 $0x0;
	s0 =	rddreg [dreg:$0x8]  }
0x11e: {  	[tilespmem:s18], [sflag:$0x1] =	stream.linear.gather [hbm4b:s0+s29], $0x7D0, $0x38;
	[tilespmem:$0x1FB00] =	vst v63  }
0x11f: {  	s30 =	rddreg [dreg:$0x1d]  }
0x120: {  	[tilespmem:s19], [sflag:$0x1] =	stream.linear.gather [hbm4b:s30+s29], $0x7D0, $0x38;
	[tilespmem:$0x1FB00] =	vst v63  }
0x121: {  	s31 =	rddreg [dreg:$0x1e]  }
0x122: {  	[tilespmem:s21], [sflag:$0x1] =	stream.linear.gather [hbm4b:s31+s29], $0x7D0, $0x38;
	[tilespmem:$0x1FB00] =	vst v63  }
.LBB2_11:
0x123: {  	s0 =	smul.u32 $0xFA0, s29;
	_ =	sdelay $0x1  }
0x124: {  	s0 =	sadd.s32 s12, s0  }
0x125: {  	s0 =	sshrl.u32 s0, $0x3  }
0x126: {  	s30 =	sadd.s32 s7, s0  }
0x127: {  	s0 =	sadd.s32 $0xFA, s30  }
0x128: {  	[tilespmem:s22], [sflag:$0x2] =	stream.linear.gather [hbm4b:s0+s3], $0x7D0, $0x38;
	[tilespmem:$0x1FB00] =	vst v63  }
0x129: {  	s25 =	sadd.s32 $0x30E3A, s30  }
0x12a: {  	[tilespmem:s20], [sflag:$0x2] =	stream.linear.gather [hbm4b:s25+s3], $0x7D0, $0x38;
	[tilespmem:$0x1FB00] =	vst v63  }
0x12b: {  	s1 =	sadd.s32 $0x61B7A, s30  }
0x12c: {  	[tilespmem:s24], [sflag:$0x2] =	stream.linear.gather [hbm4b:s1+s3], $0x7D0, $0x38;
	[tilespmem:$0x1FB00] =	vst v63  }
0x12d: {  	_ =	swait.ge [sflag:s26], $0x7D0  }
0x12e: {  	[sflag:s26] =	ssyncset.done $0x0  }
0x12f: {  	[sflag:s26] =	ssyncadd.s32 $0xFFFFF830  }
0x130: {  	_ =	swait.ge [sflag:s26], $0x7D0  }
0x131: {  	[sflag:s26] =	ssyncset.done $0x0  }
0x132: {  	[sflag:s26] =	ssyncadd.s32 $0xFFFFF830  }
0x133: {  	_ =	swait.ge [sflag:s26], $0x7D0  }
0x134: {  	[sflag:s26] =	ssyncset.done $0x0  }
0x135: {  	s25 =	simm.s32 $0x18F20;
	[sflag:s26] =	ssyncadd.s32 $0xFFFFF830  }
0x136: {  	s1 =	simm.s32 $0x19720;
	v3 =	vld [tilespmem:s25+$0x10]  }
0x137: {  	v4 =	vld [tilespmem:s1+$0x10]  }
0x138: {  	v5 =	vld [tilespmem:s1+$0xFFFFFFE0]  }
0x139: {  	v6 =	vld [tilespmem:s25+$0xFFFFFFF0]  }
0x13a: {  	v7 =	vld [tilespmem:s1+$0xFFFFFFF0]  }
0x13b: {  	v8 =	vld [tilespmem:s25+$0x0]  }
0x13c: {  	v9 =	vld [tilespmem:s1+$0x0]  }
0x13d: {  	s31 =	simm.s32 $0x19760;
	v10 =	vld [tilespmem:s25+$0xFFFFFFE0]  }
0x13e: {  	v12 =	vld [tilespmem:s31+$0x10]  }
0x13f: {  	v13 =	vld [tilespmem:s31+$0xFFFFFFE0]  }
0x140: {  	v15 =	vld [tilespmem:s31+$0xFFFFFFF0]  }
0x141: {  	s25 =	simm.s32 $0x18F60;
	v17 =	vld [tilespmem:s31+$0x0]  }
0x142: {  	v11 =	vld [tilespmem:s25+$0x10]  }
0x143: {  	v14 =	vld [tilespmem:s25+$0xFFFFFFF0]  }
0x144: {  	v16 =	vld [tilespmem:s25+$0x0]  }
0x145: {  	v3 =	vld.idx.msk [tilespmem:v3+s3+$0x0], $0xffff  }
0x146: {  	v4 =	vld.idx.msk [tilespmem:v4+s3+$0x0], $0xffff  }
0x147: {  	v5 =	vld.idx.msk [tilespmem:v5+s3+$0x0], $0xffff  }
0x148: {  	v6 =	vld.idx.msk [tilespmem:v6+s3+$0x0], $0xffff  }
0x149: {  	v7 =	vld.idx.msk [tilespmem:v7+s3+$0x0], $0xffff  }
0x14a: {  	v8 =	vld.idx.msk [tilespmem:v8+s3+$0x0], $0xffff  }
0x14b: {  	v9 =	vld.idx.msk [tilespmem:v9+s3+$0x0], $0xffff  }
0x14c: {  	v10 =	vld.idx.msk [tilespmem:v10+s3+$0x0], $0xffff  }
0x14d: {  	v18 =	vld [tilespmem:s25+$0xFFFFFFE0]  }
0x14e: {  	v12 =	vld.idx.msk [tilespmem:v12+s3+$0x0], $0xffff;
	v3 =	vmul.f32 v4, v3  }
0x14f: {  	v11 =	vld.idx.msk [tilespmem:v11+s3+$0x0], $0xffff;
	v4 =	vmul.f32 v7, v6  }
0x150: {  	v6 =	vmul.f32 v9, v8;
	v8 =	vld.idx.msk [tilespmem:v15+s3+$0x0], $0xffff;
	v7 =	vmul.f32 v3, v2  }
0x151: {  	s0 =	simm.s32 $0x1B720;
	v5 =	vmul.f32 v5, v10;
	v3 =	vld.idx.msk [tilespmem:v13+s3+$0x0], $0xffff;
	v9 =	vmul.f32 v4, v2  }
0x152: {  	v4 =	vld.idx.msk [tilespmem:v14+s3+$0x0], $0xffff;
	v6 =	vmul.f32 v6, v2;
	[tilespmem:s0+$0x10] =	vst v7  }
0x153: {  	[tilespmem:s0+$0xFFFFFFF0] =	vst v9;
	v9 =	vmul.f32 v5, v2;
	v5 =	vld.idx.msk [tilespmem:v16+s3+$0x0], $0xffff  }
0x154: {  	[tilespmem:s0+$0x0] =	vst v6;
	v7 =	vld.idx.msk [tilespmem:v17+s3+$0x0], $0xffff  }
0x155: {  	s1 =	simm.s32 $0x4;
	s25 =	simm.s32 $0x18FA0;
	v6 =	vld.idx.msk [tilespmem:v18+s3+$0x0], $0xffff;
	[tilespmem:s0+$0xFFFFFFE0] =	vst v9;
	v9 =	vmul.f32 v12, v11  }
.LBB2_12:
0x156: {  	v10 =	vld [tilespmem:s25+$0x10];
	s31 =	sadd.s32 $0x40, s31  }
0x157: {  	s1 =	sadd.s32 $0x4, s1;
	v11 =	vld [tilespmem:s31+$0x10];
	v9 =	vmul.f32 v9, v2  }
0x158: {  	s0 =	sadd.s32 $0x40, s0;
	p2 =	slt.u32 s1, $0x78;
	v4 =	vmul.f32 v8, v4;
	v12 =	vld [tilespmem:s31+$0xFFFFFFE0]  }
0x159: {  	v8 =	vld [tilespmem:s25+$0xFFFFFFF0];
	[tilespmem:s0+$0x10] =	vst v9  }
0x15a: {  	v4 =	vmul.f32 v4, v2;
	v5 =	vmul.f32 v7, v5;
	v9 =	vld [tilespmem:s31+$0xFFFFFFF0]  }
0x15b: {  	v3 =	vmul.f32 v3, v6;
	v7 =	vld [tilespmem:s25+$0x0]  }
0x15c: {  	v6 =	vld [tilespmem:s31+$0x0];
	[tilespmem:s0+$0xFFFFFFF0] =	vst v4;
	v4 =	vmul.f32 v5, v2  }
0x15d: {  	v3 =	vmul.f32 v3, v2;
	v13 =	vld [tilespmem:s25+$0xFFFFFFE0]  }
0x15e: {  	v10 =	vld.idx.msk [tilespmem:v10+s3+$0x0], $0xffff;
	[tilespmem:s0+$0x0] =	vst v4  }
0x15f: {  	v11 =	vld.idx.msk [tilespmem:v11+s3+$0x0], $0xffff;
	[tilespmem:s0+$0xFFFFFFE0] =	vst v3  }
0x160: {  	v3 =	vld.idx.msk [tilespmem:v12+s3+$0x0], $0xffff  }
.Ltmp6:
0x161: {  	v4 =	vld.idx.msk [tilespmem:v8+s3+$0x0], $0xffff;
	(pc) =	sbr.rel @p2 .LBB2_12-.Ltmp6, $4  }
0x162: {  	v8 =	vld.idx.msk [tilespmem:v9+s3+$0x0], $0xffff  }
0x163: {  	v5 =	vld.idx.msk [tilespmem:v7+s3+$0x0], $0xffff  }
0x164: {  	v7 =	vld.idx.msk [tilespmem:v6+s3+$0x0], $0xffff  }
0x165: {  	s25 =	sadd.s32 $0x40, s25;
	v9 =	vmul.f32 v11, v10;
	v6 =	vld.idx.msk [tilespmem:v13+s3+$0x0], $0xffff  }
0x166: {  	_ =	sdelay $0x1  }
0x167: {  	v4 =	vmul.f32 v8, v4  }
0x168: {  	v8 =	vmul.f32 v9, v2;
	v5 =	vmul.f32 v7, v5  }
0x169: {  	s0 =	sadd.s32 $0x40, s0;
	v4 =	vmul.f32 v4, v2;
	v3 =	vmul.f32 v3, v6  }
0x16a: {  	[tilespmem:s0+$0x10] =	vst v8;
	v5 =	vmul.f32 v5, v2  }
0x16b: {  	[tilespmem:s0+$0xFFFFFFF0] =	vst v4;
	v3 =	vmul.f32 v3, v2  }
0x16c: {  	[tilespmem:s0+$0x0] =	vst v5  }
0x16d: {  	[tilespmem:s0+$0xFFFFFFE0] =	vst v3  }
0x16e: {  	v3 =	vld [tilespmem:$0x196C0]  }
0x16f: {  	v4 =	vld [tilespmem:$0x19EC0];
	_ =	sdelay $0x6  }
0x170: {  	v3 =	vld.idx.msk [tilespmem:v3+s3+$0x0], $0xffff  }
0x171: {  	v4 =	vld.idx.msk [tilespmem:v4+s3+$0x0], $0xffff;
	_ =	sdelay $0x4  }
0x172: {  	v3 =	vmul.f32 v4, v3;
	_ =	sdelay $0x1  }
0x173: {  	v3 =	vmul.f32 v3, v2;
	_ =	sdelay $0x1  }
0x174: {  	[tilespmem:$0x1BEC0] =	vst v3  }
0x175: {  	[spmem:s2] =	stream.indirect.scatter.add.f32 [tilespmem:s14], [sflag:$0x4], $0x1, s18, s5, $0xb8;
	[tilespmem:$0x1FB00] =	vst v63  }
0x176: {  	_ =	swait.ge [sflag:s28], $0x7D0  }
0x177: {  	[sflag:s28] =	ssyncset.done $0x0  }
0x178: {  	s25 =	sadd.s32 $0x1F4, s30;
	[sflag:s28] =	ssyncadd.s32 $0xFFFFF830  }
0x179: {  	[tilespmem:s18], [sflag:$0x1] =	stream.linear.gather [hbm4b:s25+s3], $0x7D0, $0x38;
	[tilespmem:$0x1FB00] =	vst v63  }
0x17a: {  	s31 =	sadd.s32 $0x30F34, s30  }
0x17b: {  	[tilespmem:s19], [sflag:$0x1] =	stream.linear.gather [hbm4b:s31+s3], $0x7D0, $0x38;
	[tilespmem:$0x1FB00] =	vst v63  }
0x17c: {  	s1 =	sadd.s32 $0x61C74, s30  }
0x17d: {  	[tilespmem:s21], [sflag:$0x1] =	stream.linear.gather [hbm4b:s1+s3], $0x7D0, $0x38;
	[tilespmem:$0x1FB00] =	vst v63  }
0x17e: {  	_ =	swait.ge [sflag:s4], $0x7D0  }
0x17f: {  	[sflag:s4] =	ssyncset.done $0x0  }
0x180: {  	[sflag:s4] =	ssyncadd.s32 $0xFFFFF830  }
0x181: {  	_ =	swait.ge [sflag:s4], $0x7D0  }
0x182: {  	[sflag:s4] =	ssyncset.done $0x0  }
0x183: {  	[sflag:s4] =	ssyncadd.s32 $0xFFFFF830  }
0x184: {  	_ =	swait.ge [sflag:s4], $0x7D0  }
0x185: {  	[sflag:s4] =	ssyncset.done $0x0  }
0x186: {  	s25 =	simm.s32 $0x1A720;
	[sflag:s4] =	ssyncadd.s32 $0xFFFFF830  }
0x187: {  	s1 =	simm.s32 $0x1AF20;
	v3 =	vld [tilespmem:s25+$0x10]  }
0x188: {  	v4 =	vld [tilespmem:s1+$0x10]  }
0x189: {  	v5 =	vld [tilespmem:s1+$0xFFFFFFE0]  }
0x18a: {  	v6 =	vld [tilespmem:s25+$0xFFFFFFF0]  }
0x18b: {  	v7 =	vld [tilespmem:s1+$0xFFFFFFF0]  }
0x18c: {  	v8 =	vld [tilespmem:s25+$0x0]  }
0x18d: {  	v9 =	vld [tilespmem:s1+$0x0]  }
0x18e: {  	s31 =	simm.s32 $0x1A760;
	v10 =	vld [tilespmem:s25+$0xFFFFFFE0]  }
0x18f: {  	s30 =	simm.s32 $0x1AF60;
	v11 =	vld [tilespmem:s31+$0x10]  }
0x190: {  	v12 =	vld [tilespmem:s30+$0x10]  }
0x191: {  	v13 =	vld [tilespmem:s30+$0xFFFFFFE0]  }
0x192: {  	v14 =	vld [tilespmem:s31+$0xFFFFFFF0]  }
0x193: {  	v15 =	vld [tilespmem:s30+$0xFFFFFFF0]  }
0x194: {  	v16 =	vld [tilespmem:s31+$0x0]  }
0x195: {  	v17 =	vld [tilespmem:s30+$0x0]  }
0x196: {  	v3 =	vld.idx.msk [tilespmem:v3+s3+$0x0], $0xffff  }
0x197: {  	v4 =	vld.idx.msk [tilespmem:v4+s3+$0x0], $0xffff  }
0x198: {  	v5 =	vld.idx.msk [tilespmem:v5+s3+$0x0], $0xffff  }
0x199: {  	v6 =	vld.idx.msk [tilespmem:v6+s3+$0x0], $0xffff  }
0x19a: {  	v7 =	vld.idx.msk [tilespmem:v7+s3+$0x0], $0xffff  }
0x19b: {  	v8 =	vld.idx.msk [tilespmem:v8+s3+$0x0], $0xffff  }
0x19c: {  	v9 =	vld.idx.msk [tilespmem:v9+s3+$0x0], $0xffff  }
0x19d: {  	v10 =	vld.idx.msk [tilespmem:v10+s3+$0x0], $0xffff  }
0x19e: {  	v18 =	vld [tilespmem:s31+$0xFFFFFFE0]  }
0x19f: {  	v11 =	vld.idx.msk [tilespmem:v11+s3+$0x0], $0xffff;
	v3 =	vmul.f32 v4, v3  }
0x1a0: {  	v12 =	vld.idx.msk [tilespmem:v12+s3+$0x0], $0xffff;
	v4 =	vmul.f32 v7, v6  }
0x1a1: {  	v6 =	vmul.f32 v9, v8;
	v8 =	vld.idx.msk [tilespmem:v15+s3+$0x0], $0xffff;
	v7 =	vmul.f32 v3, v2  }
0x1a2: {  	s0 =	simm.s32 $0x1BF20;
	v5 =	vmul.f32 v5, v10;
	v3 =	vld.idx.msk [tilespmem:v13+s3+$0x0], $0xffff;
	v9 =	vmul.f32 v4, v2  }
0x1a3: {  	v4 =	vld.idx.msk [tilespmem:v14+s3+$0x0], $0xffff;
	v6 =	vmul.f32 v6, v2;
	[tilespmem:s0+$0x10] =	vst v7  }
0x1a4: {  	[tilespmem:s0+$0xFFFFFFF0] =	vst v9;
	v9 =	vmul.f32 v5, v2;
	v5 =	vld.idx.msk [tilespmem:v16+s3+$0x0], $0xffff  }
0x1a5: {  	[tilespmem:s0+$0x0] =	vst v6;
	v7 =	vld.idx.msk [tilespmem:v17+s3+$0x0], $0xffff  }
0x1a6: {  	s1 =	simm.s32 $0x4;
	s25 =	simm.s32 $0x1A7A0;
	v6 =	vld.idx.msk [tilespmem:v18+s3+$0x0], $0xffff;
	[tilespmem:s0+$0xFFFFFFE0] =	vst v9;
	v9 =	vmul.f32 v12, v11  }
.LBB2_14:
0x1a7: {  	v10 =	vld [tilespmem:s25+$0x10];
	s30 =	sadd.s32 $0x40, s30  }
0x1a8: {  	s1 =	sadd.s32 $0x4, s1;
	v11 =	vld [tilespmem:s30+$0x10];
	v9 =	vmul.f32 v9, v2  }
0x1a9: {  	s0 =	sadd.s32 $0x40, s0;
	p2 =	slt.u32 s1, $0x78;
	v4 =	vmul.f32 v8, v4;
	v12 =	vld [tilespmem:s30+$0xFFFFFFE0]  }
0x1aa: {  	v8 =	vld [tilespmem:s25+$0xFFFFFFF0];
	[tilespmem:s0+$0x10] =	vst v9  }
0x1ab: {  	v4 =	vmul.f32 v4, v2;
	v5 =	vmul.f32 v7, v5;
	v9 =	vld [tilespmem:s30+$0xFFFFFFF0]  }
0x1ac: {  	v3 =	vmul.f32 v3, v6;
	v7 =	vld [tilespmem:s25+$0x0]  }
0x1ad: {  	v6 =	vld [tilespmem:s30+$0x0];
	[tilespmem:s0+$0xFFFFFFF0] =	vst v4;
	v4 =	vmul.f32 v5, v2  }
0x1ae: {  	v3 =	vmul.f32 v3, v2;
	v13 =	vld [tilespmem:s25+$0xFFFFFFE0]  }
0x1af: {  	v10 =	vld.idx.msk [tilespmem:v10+s3+$0x0], $0xffff;
	[tilespmem:s0+$0x0] =	vst v4  }
0x1b0: {  	v11 =	vld.idx.msk [tilespmem:v11+s3+$0x0], $0xffff;
	[tilespmem:s0+$0xFFFFFFE0] =	vst v3  }
0x1b1: {  	v3 =	vld.idx.msk [tilespmem:v12+s3+$0x0], $0xffff  }
.Ltmp7:
0x1b2: {  	v4 =	vld.idx.msk [tilespmem:v8+s3+$0x0], $0xffff;
	(pc) =	sbr.rel @p2 .LBB2_14-.Ltmp7, $4  }
0x1b3: {  	v8 =	vld.idx.msk [tilespmem:v9+s3+$0x0], $0xffff  }
0x1b4: {  	v5 =	vld.idx.msk [tilespmem:v7+s3+$0x0], $0xffff  }
0x1b5: {  	v7 =	vld.idx.msk [tilespmem:v6+s3+$0x0], $0xffff  }
0x1b6: {  	s25 =	sadd.s32 $0x40, s25;
	v9 =	vmul.f32 v11, v10;
	v6 =	vld.idx.msk [tilespmem:v13+s3+$0x0], $0xffff  }
0x1b7: {  	_ =	sdelay $0x1  }
0x1b8: {  	v4 =	vmul.f32 v8, v4  }
0x1b9: {  	v63 =	vmul.f32 v9, v2;
	v5 =	vmul.f32 v7, v5  }
0x1ba: {  	s0 =	sadd.s32 $0x40, s0;
	v4 =	vmul.f32 v4, v2;
	v3 =	vmul.f32 v3, v6  }
0x1bb: {  	[tilespmem:s0+$0x10] =	vst v63;
	v5 =	vmul.f32 v5, v2  }
0x1bc: {  	[tilespmem:s0+$0xFFFFFFF0] =	vst v4;
	v3 =	vmul.f32 v3, v2  }
0x1bd: {  	[tilespmem:s0+$0x0] =	vst v5  }
0x1be: {  	[tilespmem:s0+$0xFFFFFFE0] =	vst v3  }
0x1bf: {  	v3 =	vld [tilespmem:$0x1AEC0]  }
0x1c0: {  	v4 =	vld [tilespmem:$0x1B6C0];
	_ =	sdelay $0x6  }
0x1c1: {  	v3 =	vld.idx.msk [tilespmem:v3+s3+$0x0], $0xffff  }
0x1c2: {  	v4 =	vld.idx.msk [tilespmem:v4+s3+$0x0], $0xffff;
	_ =	sdelay $0x4  }
0x1c3: {  	v3 =	vmul.f32 v4, v3;
	_ =	sdelay $0x1  }
0x1c4: {  	s29 =	sadd.s32 $0x1, s29;
	v3 =	vmul.f32 v3, v2  }
0x1c5: {  	p2 =	sne.s32 s29, $0xC  }
.Ltmp8:
0x1c6: {  	[tilespmem:$0x1C6C0] =	vst v3;
	(pc) =	sbr.rel @p2 .LBB2_11-.Ltmp8, $4  }
0x1c7: {  	[spmem:s2] =	stream.indirect.scatter.add.f32 [tilespmem:s8], [sflag:$0x4], $0x1, s22, s5, $0xb8;
	[tilespmem:$0x1FB00] =	vst v63  }
0x1c8: {  	_ =	swait.ge [sflag:s28], $0x7D0  }
0x1c9: {  	[sflag:s28] =	ssyncset.done $0x0  }
0x1ca: {  	[sflag:s28] =	ssyncadd.s32 $0xFFFFF830  }
0x1cb: {  	_ =	swait.ge [sflag:s26], $0x7D0  }
0x1cc: {  	[sflag:s26] =	ssyncset.done $0x0  }
0x1cd: {  	[sflag:s26] =	ssyncadd.s32 $0xFFFFF830  }
0x1ce: {  	_ =	swait.ge [sflag:s26], $0x7D0  }
0x1cf: {  	[sflag:s26] =	ssyncset.done $0x0  }
0x1d0: {  	[sflag:s26] =	ssyncadd.s32 $0xFFFFF830  }
0x1d1: {  	_ =	swait.ge [sflag:s26], $0x7D0  }
0x1d2: {  	[sflag:s26] =	ssyncset.done $0x0  }
0x1d3: {  	s0 =	simm.s32 $0x18F20;
	[sflag:s26] =	ssyncadd.s32 $0xFFFFF830  }
0x1d4: {  	s1 =	simm.s32 $0x19720;
	v3 =	vld [tilespmem:s0+$0x10]  }
0x1d5: {  	v4 =	vld [tilespmem:s1+$0x10]  }
0x1d6: {  	v5 =	vld [tilespmem:s1+$0xFFFFFFE0]  }
0x1d7: {  	v6 =	vld [tilespmem:s0+$0xFFFFFFF0]  }
0x1d8: {  	v7 =	vld [tilespmem:s1+$0xFFFFFFF0]  }
0x1d9: {  	v8 =	vld [tilespmem:s0+$0x0]  }
0x1da: {  	v9 =	vld [tilespmem:s1+$0x0]  }
0x1db: {  	s31 =	simm.s32 $0x18F60;
	v10 =	vld [tilespmem:s0+$0xFFFFFFE0]  }
0x1dc: {  	s29 =	simm.s32 $0x19760;
	v11 =	vld [tilespmem:s31+$0x10]  }
0x1dd: {  	v12 =	vld [tilespmem:s29+$0x10]  }
0x1de: {  	v13 =	vld [tilespmem:s29+$0xFFFFFFE0]  }
0x1df: {  	v14 =	vld [tilespmem:s31+$0xFFFFFFF0]  }
0x1e0: {  	v15 =	vld [tilespmem:s29+$0xFFFFFFF0]  }
0x1e1: {  	v16 =	vld [tilespmem:s31+$0x0]  }
0x1e2: {  	v17 =	vld [tilespmem:s29+$0x0]  }
0x1e3: {  	v3 =	vld.idx.msk [tilespmem:v3+s3+$0x0], $0xffff  }
0x1e4: {  	v4 =	vld.idx.msk [tilespmem:v4+s3+$0x0], $0xffff  }
0x1e5: {  	v5 =	vld.idx.msk [tilespmem:v5+s3+$0x0], $0xffff  }
0x1e6: {  	v6 =	vld.idx.msk [tilespmem:v6+s3+$0x0], $0xffff  }
0x1e7: {  	v7 =	vld.idx.msk [tilespmem:v7+s3+$0x0], $0xffff  }
0x1e8: {  	v8 =	vld.idx.msk [tilespmem:v8+s3+$0x0], $0xffff  }
0x1e9: {  	v9 =	vld.idx.msk [tilespmem:v9+s3+$0x0], $0xffff  }
0x1ea: {  	v10 =	vld.idx.msk [tilespmem:v10+s3+$0x0], $0xffff  }
0x1eb: {  	v18 =	vld [tilespmem:s31+$0xFFFFFFE0]  }
0x1ec: {  	v11 =	vld.idx.msk [tilespmem:v11+s3+$0x0], $0xffff;
	v3 =	vmul.f32 v4, v3  }
0x1ed: {  	v12 =	vld.idx.msk [tilespmem:v12+s3+$0x0], $0xffff;
	v4 =	vmul.f32 v7, v6  }
0x1ee: {  	v6 =	vmul.f32 v9, v8;
	v8 =	vld.idx.msk [tilespmem:v15+s3+$0x0], $0xffff;
	v7 =	vmul.f32 v3, v2  }
0x1ef: {  	s0 =	simm.s32 $0x1B720;
	v5 =	vmul.f32 v5, v10;
	v3 =	vld.idx.msk [tilespmem:v13+s3+$0x0], $0xffff;
	v9 =	vmul.f32 v4, v2  }
0x1f0: {  	v4 =	vld.idx.msk [tilespmem:v14+s3+$0x0], $0xffff;
	v6 =	vmul.f32 v6, v2;
	[tilespmem:s0+$0x10] =	vst v7  }
0x1f1: {  	[tilespmem:s0+$0xFFFFFFF0] =	vst v9;
	v9 =	vmul.f32 v5, v2;
	v5 =	vld.idx.msk [tilespmem:v16+s3+$0x0], $0xffff  }
0x1f2: {  	[tilespmem:s0+$0x0] =	vst v6;
	v7 =	vld.idx.msk [tilespmem:v17+s3+$0x0], $0xffff  }
0x1f3: {  	s25 =	simm.s32 $0x18FA0;
	s1 =	simm.s32 $0x4;
	v6 =	vld.idx.msk [tilespmem:v18+s3+$0x0], $0xffff;
	[tilespmem:s0+$0xFFFFFFE0] =	vst v9;
	v9 =	vmul.f32 v12, v11  }
.LBB2_17:
0x1f4: {  	v10 =	vld [tilespmem:s25+$0x10];
	s29 =	sadd.s32 $0x40, s29  }
0x1f5: {  	s1 =	sadd.s32 $0x4, s1;
	v11 =	vld [tilespmem:s29+$0x10];
	v9 =	vmul.f32 v9, v2  }
0x1f6: {  	s0 =	sadd.s32 $0x40, s0;
	p2 =	slt.u32 s1, $0x78;
	v4 =	vmul.f32 v8, v4;
	v12 =	vld [tilespmem:s29+$0xFFFFFFE0]  }
0x1f7: {  	v8 =	vld [tilespmem:s25+$0xFFFFFFF0];
	[tilespmem:s0+$0x10] =	vst v9  }
0x1f8: {  	v4 =	vmul.f32 v4, v2;
	v5 =	vmul.f32 v7, v5;
	v9 =	vld [tilespmem:s29+$0xFFFFFFF0]  }
0x1f9: {  	v3 =	vmul.f32 v3, v6;
	v7 =	vld [tilespmem:s25+$0x0]  }
0x1fa: {  	v6 =	vld [tilespmem:s29+$0x0];
	[tilespmem:s0+$0xFFFFFFF0] =	vst v4;
	v4 =	vmul.f32 v5, v2  }
0x1fb: {  	v3 =	vmul.f32 v3, v2;
	v13 =	vld [tilespmem:s25+$0xFFFFFFE0]  }
0x1fc: {  	v10 =	vld.idx.msk [tilespmem:v10+s3+$0x0], $0xffff;
	[tilespmem:s0+$0x0] =	vst v4  }
0x1fd: {  	v11 =	vld.idx.msk [tilespmem:v11+s3+$0x0], $0xffff;
	[tilespmem:s0+$0xFFFFFFE0] =	vst v3  }
0x1fe: {  	v3 =	vld.idx.msk [tilespmem:v12+s3+$0x0], $0xffff  }
.Ltmp9:
0x1ff: {  	v4 =	vld.idx.msk [tilespmem:v8+s3+$0x0], $0xffff;
	(pc) =	sbr.rel @p2 .LBB2_17-.Ltmp9, $4  }
0x200: {  	v8 =	vld.idx.msk [tilespmem:v9+s3+$0x0], $0xffff  }
0x201: {  	v5 =	vld.idx.msk [tilespmem:v7+s3+$0x0], $0xffff  }
0x202: {  	v7 =	vld.idx.msk [tilespmem:v6+s3+$0x0], $0xffff  }
0x203: {  	s25 =	sadd.s32 $0x40, s25;
	v9 =	vmul.f32 v11, v10;
	v6 =	vld.idx.msk [tilespmem:v13+s3+$0x0], $0xffff  }
0x204: {  	_ =	sdelay $0x1  }
0x205: {  	v4 =	vmul.f32 v8, v4  }
0x206: {  	v63 =	vmul.f32 v9, v2;
	v5 =	vmul.f32 v7, v5  }
0x207: {  	s0 =	sadd.s32 $0x40, s0;
	v4 =	vmul.f32 v4, v2;
	v3 =	vmul.f32 v3, v6  }
0x208: {  	[tilespmem:s0+$0x10] =	vst v63;
	v5 =	vmul.f32 v5, v2  }
0x209: {  	[tilespmem:s0+$0xFFFFFFF0] =	vst v4;
	v3 =	vmul.f32 v3, v2  }
0x20a: {  	[tilespmem:s0+$0x0] =	vst v5  }
0x20b: {  	[tilespmem:s0+$0xFFFFFFE0] =	vst v3  }
0x20c: {  	v3 =	vld [tilespmem:$0x196C0]  }
0x20d: {  	v4 =	vld [tilespmem:$0x19EC0];
	_ =	sdelay $0x5  }
0x20e: {  	s30 =	simm.s32 $0x0  }
0x20f: {  	v3 =	vld.idx.msk [tilespmem:v3+s30+$0x0], $0xffff  }
0x210: {  	v4 =	vld.idx.msk [tilespmem:v4+s30+$0x0], $0xffff;
	_ =	sdelay $0x4  }
0x211: {  	v3 =	vmul.f32 v4, v3;
	_ =	sdelay $0x1  }
0x212: {  	v3 =	vmul.f32 v3, v2;
	_ =	sdelay $0x1  }
0x213: {  	[tilespmem:$0x1BEC0] =	vst v3  }
0x214: {  	[spmem:s2] =	stream.indirect.scatter.add.f32 [tilespmem:s14], [sflag:$0x4], $0x1, s18, s5, $0xb8;
	[tilespmem:$0x1FB00] =	vst v63  }
0x215: {  	_ =	swait.ge [sflag:s28], $0x7D0  }
0x216: {  	[sflag:s28] =	ssyncset.done $0x0  }
0x217: {  	s31 =	stileid.u32;
	[sflag:s28] =	ssyncadd.s32 $0xFFFFF830  }
0x218: {  	s0 =	sshll.u32 s31, $0x6;
	[bflag:$0x0] =	sbarrier.arrive $0xFFFF  }
0x219: {  	s1 =	sshrl.u32 s11, $0x3;
	s0 =	sor.u32 $0x1C04, s0;
	s25 =	rddreg [dreg:$0xc]  }
0x21a: {  	[hbm:s25], [sflag:s0] =	dma.local [spmem:s1], $0x320  }
0x21b: {  	_ =	swait.ge [sflag:s28], $0x320  }
0x21c: {  	[sflag:s28] =	ssyncset.done $0x0  }
0x21d: {  	s0 =	simm.s32 $0x40;
	s1 =	simm.s32 $0x0;
	[sflag:s28] =	ssyncadd.s32 $0xFFFFFCE0  }
.LBB2_19:
0x21e: {  	p2 =	sne.s32 s0, $0xC40;
	[tilespmem:s1+$0x1B700] =	vst v0;
	s1 =	smov.u32 s0;
	s0 =	sadd.s32 $0x40, s0  }
.Ltmp10:
0x21f: {  	(pc) =	sbr.rel @p2 .LBB2_19-.Ltmp10, $2  }
0x220: {  	_ =	sdelay $0x2  }
0x221: {  	s1 =	sshra.s32 s1, $0x2  }
0x222: {  	[tilespmem:s1+$0x1B700] =	vst v0  }
0x223: {  	[spmem:s11] =	stream.linear.scatter [tilespmem:s14], [sflag:$0x4], $0x320, $0x38;
	[tilespmem:$0x1FB00] =	vst v63  }
0x224: {  	_ =	swait.ge [sflag:s28], $0x320  }
0x225: {  	[sflag:s28] =	ssyncset.done $0x0  }
0x226: {  	s0 =	rddreg [dreg:$0x15];
	[sflag:s28] =	ssyncadd.s32 $0xFFFFFCE0  }
0x227: {  	[spmem:s0] =	stream.linear.scatter [tilespmem:s14], [sflag:$0x4], $0x320, $0x38;
	[tilespmem:$0x1FB00] =	vst v63  }
0x228: {  	_ =	swait.ge [sflag:s28], $0x320  }
0x229: {  	[sflag:s28] =	ssyncset.done $0x0  }
0x22a: {  	s31 =	rddreg [dreg:$0x16];
	[sflag:s28] =	ssyncadd.s32 $0xFFFFFCE0  }
0x22b: {  	[spmem:s31] =	stream.linear.scatter [tilespmem:s14], [sflag:$0x4], $0x320, $0x38;
	[tilespmem:$0x1FB00] =	vst v63  }
0x22c: {  	_ =	swait.ge [sflag:s28], $0x320  }
0x22d: {  	[sflag:s28] =	ssyncset.done $0x0  }
0x22e: {  	s1 =	rddreg [dreg:$0x17];
	[sflag:s28] =	ssyncadd.s32 $0xFFFFFCE0  }
0x22f: {  	[spmem:s1] =	stream.linear.scatter [tilespmem:s14], [sflag:$0x4], $0x320, $0x38;
	[tilespmem:$0x1FB00] =	vst v63  }
0x230: {  	_ =	swait.ge [sflag:s28], $0x320  }
0x231: {  	[sflag:s28] =	ssyncset.done $0x0  }
0x232: {  	s25 =	rddreg [dreg:$0x10];
	[sflag:s28] =	ssyncadd.s32 $0xFFFFFCE0  }
0x233: {  	[spmem:s25] =	stream.linear.scatter [tilespmem:s14], [sflag:$0x4], $0x320, $0x38;
	[tilespmem:$0x1FB00] =	vst v63  }
0x234: {  	_ =	swait.ge [sflag:s28], $0x320  }
0x235: {  	[sflag:s28] =	ssyncset.done $0x0  }
0x236: {  	s29 =	rddreg [dreg:$0x18];
	[sflag:s28] =	ssyncadd.s32 $0xFFFFFCE0  }
0x237: {  	[spmem:s29] =	stream.linear.scatter [tilespmem:s14], [sflag:$0x4], $0x320, $0x38;
	[tilespmem:$0x1FB00] =	vst v63  }
0x238: {  	_ =	swait.ge [sflag:s28], $0x320  }
0x239: {  	[sflag:s28] =	ssyncset.done $0x0  }
0x23a: {  	s30 =	rddreg [dreg:$0x19];
	[sflag:s28] =	ssyncadd.s32 $0xFFFFFCE0  }
0x23b: {  	[spmem:s30] =	stream.linear.scatter [tilespmem:s14], [sflag:$0x4], $0x320, $0x38;
	[tilespmem:$0x1FB00] =	vst v63  }
0x23c: {  	_ =	swait.ge [sflag:s28], $0x320  }
0x23d: {  	[sflag:s28] =	ssyncset.done $0x0  }
0x23e: {  	s31 =	rddreg [dreg:$0x1a];
	[sflag:s28] =	ssyncadd.s32 $0xFFFFFCE0  }
0x23f: {  	[spmem:s31] =	stream.linear.scatter [tilespmem:s14], [sflag:$0x4], $0x320, $0x38;
	[tilespmem:$0x1FB00] =	vst v63  }
0x240: {  	_ =	swait.ge [sflag:s28], $0x320  }
0x241: {  	[sflag:s28] =	ssyncset.done $0x0  }
0x242: {  	s0 =	sadd.s32 @!p1 $0x1, s23;
	[sflag:s28] =	ssyncadd.s32 $0xFFFFFCE0  }
0x243: {  	v3 =	vmov @!p1 s0;
	[bflag:$0x0] =	sbarrier.arrive $0xFFFF  }
0x244: {  	s0 =	simm.s32 @!p1 $0x0;
	s1 =	simm.s32 @!p1 $0x1E180;
	[tilespmem:$0x1E180] =	vst @!p1 v3;
	s25 =	rddreg [dreg:$0x6]  }
0x245: {  	[hbm4b:s25+s0] =	stream.linear.scatter @!p1 [tilespmem:s1], [sflag:$0x4], $0x10, $0x38;
	[tilespmem:$0x1FB00] =	vst v63  }
0x246: {  	s0 =	simm.s32 @!p1 $0x4  }
0x247: {  	_ =	swait.ge @!p1 [sflag:s0], $0x10  }
0x248: {  	[sflag:s0] =	ssyncset.done @!p1 $0x0  }
0x249: {  	[sflag:s0] =	ssyncadd.s32 @!p1 $0xFFFFFFF0;
	s0 =	simm.s32 $0x0  }
.LBB2_21:
0x24a: {  	[tilespmem:s17], [sflag:$0x4] =	stream.linear.gather [hbm4b:s15+s3], $0x10, $0x38;
	[tilespmem:$0x1FB00] =	vst v63  }
0x24b: {  	_ =	swait.ge [sflag:s28], $0x10  }
0x24c: {  	[sflag:s28] =	ssyncset.done $0x0  }
0x24d: {  	[sflag:s28] =	ssyncadd.s32 $0xFFFFFFF0  }
0x24e: {  	v3 =	vld [tilespmem:$0x1E100];
	_ =	sdelay $0x4  }
0x24f: {  	v3 =	vxor.u32 $0x80000000, v3  }
0x250: {  	(xrf0) =	vmax.scan.msk.u32 $0xffff, v3;
	_ =	sdelay $0x5  }
0x251: {  	v3, _, _ =	vpop (xrf0)  }
0x252: {  	(v2sf) =	vpush v3, $0xF;
	_ =	sdelay $0xe  }
0x253: {  	s1 =	spop (v2sf)  }
0x254: {  	s1 =	sxor.u32 $0x80000000, s1  }
0x255: {  	p2 =	sgt.s32 s1, s23  }
0x256: {  	p3 =	slt.u32 @!p2 s0, $0x3FFFFF  }
0x257: {  	p2 =	por p2, !p3  }
.Ltmp11:
0x258: {  	_ = 	snop;
	(pc) =	sbr.rel @!p2 .LBB2_21-.Ltmp11, $2  }
0x259: {  	_ =	sdelay $0x2  }
0x25a: {  	s0 =	sadd.s32 $0x1, s0  }
0x25b: {  	s0 =	simm.s32 $0x0;
	s1 =	rddreg [dreg:$0xd]  }
0x25c: {  	[tilespmem:s13], [sflag:$0x4] =	stream.linear.gather [hbm4b:s1+s0], $0xC80, $0x38;
	[tilespmem:$0x1FB00] =	vst v63  }
0x25d: {  	_ =	swait.ge [sflag:s28], $0xC80  }
0x25e: {  	[sflag:s28] =	ssyncset.done $0x0  }
0x25f: {  	s31 =	rddreg [dreg:$0x1f];
	[sflag:s28] =	ssyncadd.s32 $0xFFFFF380  }
0x260: {  	[tilespmem:s16], [sflag:$0x4] =	stream.linear.gather [hbm4b:s31+s0], $0xC80, $0x38;
	[tilespmem:$0x1FB00] =	vst v63  }
0x261: {  	_ =	swait.ge [sflag:s28], $0xC80  }
0x262: {  	[sflag:s28] =	ssyncset.done $0x0  }
0x263: {  	s0 =	simm.s32 $0x0;
	[sflag:s28] =	ssyncadd.s32 $0xFFFFF380  }
0x264: {  	s1 =	simm.s32 $0x40;
	v3 =	vld [tilespmem:s0+$0x1D380]  }
.LBB2_23:
0x265: {  	p2 =	sne.s32 s1, $0x31C0;
	v4 =	vld [tilespmem:s0+$0x1C700];
	_ =	sdelay $0x2  }
.Ltmp12:
0x266: {  	(pc) =	sbr.rel @p2 .LBB2_23-.Ltmp12, $4  }
0x267: {  	_ = 	snop  }
0x268: {  	v4 =	vadd.f32 v3, v4  }
0x269: {  	s25 =	sshra.s32 s1, $0x2  }
0x26a: {  	s1 =	sadd.s32 $0x40, s1;
	v3 =	vld [tilespmem:s25+$0x1D380];
	[tilespmem:s0+$0x1C700] =	vst v4;
	s0 =	smov.u32 s25  }
0x26b: {  	v4 =	vld [tilespmem:s0+$0x1C700];
	_ =	sdelay $0x4  }
0x26c: {  	v3 =	vadd.f32 v3, v4;
	_ =	sdelay $0x1  }
0x26d: {  	s31 =	simm.s32 $0x0;
	s1 =	rddreg [dreg:$0xe];
	[tilespmem:s0+$0x1C700] =	vst v3  }
0x26e: {  	[tilespmem:s16], [sflag:$0x4] =	stream.linear.gather [hbm4b:s1+s31], $0xC80, $0x38;
	[tilespmem:$0x1FB00] =	vst v63  }
0x26f: {  	_ =	swait.ge [sflag:s28], $0xC80  }
0x270: {  	[sflag:s28] =	ssyncset.done $0x0  }
0x271: {  	s0 =	simm.s32 $0x0;
	[sflag:s28] =	ssyncadd.s32 $0xFFFFF380  }
0x272: {  	s1 =	simm.s32 $0x40;
	v3 =	vld [tilespmem:s0+$0x1D380]  }
.LBB2_25:
0x273: {  	p2 =	sne.s32 s1, $0x31C0;
	v4 =	vld [tilespmem:s0+$0x1C700];
	_ =	sdelay $0x2  }
.Ltmp13:
0x274: {  	(pc) =	sbr.rel @p2 .LBB2_25-.Ltmp13, $4  }
0x275: {  	_ = 	snop  }
0x276: {  	v4 =	vadd.f32 v3, v4  }
0x277: {  	s25 =	sshra.s32 s1, $0x2  }
0x278: {  	s1 =	sadd.s32 $0x40, s1;
	v3 =	vld [tilespmem:s25+$0x1D380];
	[tilespmem:s0+$0x1C700] =	vst v4;
	s0 =	smov.u32 s25  }
0x279: {  	v4 =	vld [tilespmem:s0+$0x1C700];
	_ =	sdelay $0x4  }
0x27a: {  	v3 =	vadd.f32 v3, v4  }
0x27b: {  	p2 =	seq.s32 s23, $0x4  }
0x27c: {  	s25 =	rddreg [dreg:$0xb];
	p3 =	por !p0, !p2;
	[tilespmem:s0+$0x1C700] =	vst v3  }
0x27d: {  	[hbm4b:s25+s3] =	stream.linear.scatter [tilespmem:s13], [sflag:$0x4], $0xC80, $0x38;
	[tilespmem:$0x1FB00] =	vst v63  }
0x27e: {  	p3 =	por !p3, !p3;
	_ =	swait.ge [sflag:s28], $0xC80  }
0x27f: {  	s1 =	simm.s32 @p3 $0x1C700;
	[sflag:s28] =	ssyncset.done $0x0  }
0x280: {  	s0 =	simm.s32 @p3 $0x0;
	s25 =	rddreg [dreg:$0xf];
	[sflag:s28] =	ssyncadd.s32 $0xFFFFF380  }
0x281: {  	[hbm4b:s25+s0] =	stream.linear.scatter @p3 [tilespmem:s1], [sflag:$0x4], $0xC80, $0x38;
	[tilespmem:$0x1FB00] =	vst v63  }
0x282: {  	s0 =	simm.s32 @p3 $0x4  }
0x283: {  	_ =	swait.ge @p3 [sflag:s0], $0xC80  }
0x284: {  	[sflag:s0] =	ssyncset.done @p3 $0x0  }
0x285: {  	s29 =	simm.s32 $0x0;
	s30 =	rddreg [dreg:$0x11];
	[sflag:s0] =	ssyncadd.s32 @p3 $0xFFFFF380  }
0x286: {  	[tilespmem:s13], [sflag:$0x4] =	stream.linear.gather [hbm4b:s30+s29], $0xC80, $0x38;
	[tilespmem:$0x1FB00] =	vst v63  }
0x287: {  	_ =	swait.ge [sflag:s28], $0xC80  }
0x288: {  	s31 =	sld [smem:$0x7FD]  }
0x289: {  	[sflag:s28] =	ssyncset.done $0x0  }
0x28a: {  	[sflag:s28] =	ssyncadd.s32 $0xFFFFF380  }
0x28b: {  	[tilespmem:s16], [sflag:$0x4] =	stream.linear.gather [hbm4b:s31+s29], $0xC80, $0x38;
	[tilespmem:$0x1FB00] =	vst v63  }
0x28c: {  	_ =	swait.ge [sflag:s28], $0xC80  }
0x28d: {  	[sflag:s28] =	ssyncset.done $0x0  }
0x28e: {  	s0 =	simm.s32 $0x0;
	[sflag:s28] =	ssyncadd.s32 $0xFFFFF380  }
0x28f: {  	s23 =	sadd.s32 $0x1, s23;
	s1 =	simm.s32 $0x40;
	v3 =	vld [tilespmem:s0+$0x1D380]  }
.LBB2_27:
0x290: {  	p4 =	sne.s32 s1, $0x31C0;
	v4 =	vld [tilespmem:s0+$0x1C700];
	_ =	sdelay $0x2  }
.Ltmp14:
0x291: {  	(pc) =	sbr.rel @p4 .LBB2_27-.Ltmp14, $4  }
0x292: {  	_ = 	snop  }
0x293: {  	v4 =	vadd.f32 v3, v4  }
0x294: {  	s25 =	sshra.s32 s1, $0x2  }
0x295: {  	s1 =	sadd.s32 $0x40, s1;
	v3 =	vld [tilespmem:s25+$0x1D380];
	[tilespmem:s0+$0x1C700] =	vst v4;
	s0 =	smov.u32 s25  }
0x296: {  	v4 =	vld [tilespmem:s0+$0x1C700];
	_ =	sdelay $0x4  }
0x297: {  	v3 =	vadd.f32 v3, v4;
	_ =	sdelay $0x1  }
0x298: {  	s31 =	simm.s32 $0x0;
	s1 =	rddreg [dreg:$0x13];
	[tilespmem:s0+$0x1C700] =	vst v3  }
0x299: {  	[tilespmem:s16], [sflag:$0x4] =	stream.linear.gather [hbm4b:s1+s31], $0xC80, $0x38;
	[tilespmem:$0x1FB00] =	vst v63  }
0x29a: {  	_ =	swait.ge [sflag:s28], $0xC80  }
0x29b: {  	[sflag:s28] =	ssyncset.done $0x0  }
0x29c: {  	s0 =	simm.s32 $0x0;
	[sflag:s28] =	ssyncadd.s32 $0xFFFFF380  }
0x29d: {  	s1 =	simm.s32 $0x40;
	v3 =	vld [tilespmem:s0+$0x1D380]  }
.LBB2_29:
0x29e: {  	p4 =	sne.s32 s1, $0x31C0;
	v4 =	vld [tilespmem:s0+$0x1C700];
	_ =	sdelay $0x2  }
.Ltmp15:
0x29f: {  	(pc) =	sbr.rel @p4 .LBB2_29-.Ltmp15, $4  }
0x2a0: {  	_ = 	snop  }
0x2a1: {  	v4 =	vadd.f32 v3, v4  }
0x2a2: {  	s25 =	sshra.s32 s1, $0x2  }
0x2a3: {  	s1 =	sadd.s32 $0x40, s1;
	v3 =	vld [tilespmem:s25+$0x1D380];
	[tilespmem:s0+$0x1C700] =	vst v4;
	s0 =	smov.u32 s25  }
0x2a4: {  	v4 =	vld [tilespmem:s0+$0x1C700];
	_ =	sdelay $0x4  }
0x2a5: {  	v3 =	vadd.f32 v3, v4;
	_ =	sdelay $0x1  }
.Ltmp16:
0x2a6: {  	s31 =	rddreg [dreg:$0x9];
	[tilespmem:s0+$0x1C700] =	vst v3;
	(pc) =	sbr.rel @p3 .LBB2_31-.Ltmp16, $4  }
0x2a7: {  	[hbm4b:s31+s3] =	stream.linear.scatter [tilespmem:s13], [sflag:$0x4], $0xC80, $0x38;
	[tilespmem:$0x1FB00] =	vst v63  }
0x2a8: {  	_ =	swait.ge [sflag:s28], $0xC80  }
0x2a9: {  	[sflag:s28] =	ssyncset.done $0x0  }
0x2aa: {  	[sflag:s28] =	ssyncadd.s32 $0xFFFFF380  }
0x2ab: {  	[bflag:$0x0] =	sbarrier.arrive $0xFFFF;
	p3 =	sne.s32 @!p2 s23, $0x5  }
0x2ac: {  	s0 =	simm.s32 @!p2 $0x0;
	s1 =	rddreg [dreg:$0xa];
	p3 =	por p2, !p3  }
0x2ad: {  	[tilespmem:s0], [sflag:$0x3] =	stream.linear.gather @!p2 [hbm4b:s1+s0], $0x186A0, $0x38;
	[tilespmem:$0x1FB00] =	vst v63  }
.Ltmp17:
0x2ae: {  	_ = 	snop;
	(pc) =	sbr.rel @!p3 .LBB2_4-.Ltmp17, $4  }
.Ltmp18:
0x2af: {  	s0 =	simm.s32 @!p2 $0x3;
	(pc) =	sbr.rel @p3 .LBB2_33-.Ltmp18, $4  }
0x2b0: {  	_ =	swait.ge @!p2 [sflag:s0], $0x186A0  }
0x2b1: {  	[sflag:s0] =	ssyncset.done @!p2 $0x0  }
0x2b2: {  	[sflag:s0] =	ssyncadd.s32 @!p2 $0xFFFE7960  }
0x2b3: {  	_ = 	snop  }
.LBB2_34:
0x2b4: {  	_ =	sfence.sel $0x180000  }
0x2b5: {  	[bflag:$0x0] =	sbarrier.arrive $0xFFFF  }
0x2b6: {  	_ =	strace $0x90000047  }
0x2b7: {  	[bflag:$0x2] =	sbarrier.arrive $0xFFFF  }
0x2b8: {  	s0 =	rddreg [dreg:$0x3]  }
0x2b9: {  	s0 =	sadd.s32 @!p1 $0x100000, s0  }
0x2ba: {  	[sflag:s0] =	ssyncadd.tile.s32 @!p1 $0x1;
	_ =	shalt  }
.Lfunc_end2:
_tile_overlayer_lowered:
.L_overlay_start_2:
0x2bb: {  	(tag) =	ssettag $0x2  }
0x2bc: {  	s0 =	rddreg [dreg:$0x0];
	s2 =	stileid.u32  }
0x2bd: {  	s1 =	rddreg [dreg:$0x1];
	p0 =	sne.s32 s2, $0x0  }
0x2be: {  	s3 =	rddreg [dreg:$0x2];
	[bflag:$0x3] =	sbarrier.arrive $0xFFFF;
	s2 =	simm.s32 @!p0 $0x1C03  }
0x2bf: {  	[timem:s3], [sflag:s2] =	dma.local @!p0 [hbm:s0], s1  }
0x2c0: {  	s0 =	simm.s32 @!p0 $0x3  }
0x2c1: {  	_ =	swait.ge @!p0 [sflag:s0], s1  }
0x2c2: {  	s1 =	ssub.s32 @!p0 $0x0, s1;
	[sflag:s0] =	ssyncset.done @!p0 $0x0  }
0x2c3: {  	[sflag:s0] =	ssyncadd.s32 @!p0 s1  }
0x2c4: {  	[bflag:$0x3] =	sbarrier.arrive $0xFFFF  }
0x2c5: {  	_ =	shalt  }

</sc_bundles>
